<compile_context>
chip_gen: v7x
topology: tpu7x:2x2x1
jax: 0.10.2.dev20260603
libtpu: 0.0.44.dev20260713+nightly
codegen_flags: <defaults>
</compile_context>

<pallas_src>
import functools

import jax
import jax.numpy as jnp
from jax import lax
from jax.experimental import pallas as pl
from jax.experimental.pallas import tpu as pltpu
from jax.experimental.pallas import tpu_sc as plsc

_NC = 2
_NS = 16
_NW = _NC * _NS
_L = 16

_BATCH = 16384
_FEAT = 64
_CLASSES = 100000
_FCHUNK = 4096
_NFC = _BATCH // _FCHUNK
_DPW = _FEAT // _NW
_UNROLL = 8
_NACC = 4


def _sc_partials(features_t, labels, centers_t):
    mesh = plsc.VectorSubcoreMesh(
        core_axis_name="c", subcore_axis_name="s",
        num_cores=_NC, num_subcores=_NS,
    )

    @functools.partial(
        pl.kernel,
        out_type=jax.ShapeDtypeStruct((_NW, _L), jnp.float32),
        mesh=mesh,
        scratch_types=[
            pltpu.VMEM((_CLASSES,), jnp.float32),
            pltpu.VMEM((_BATCH,), jnp.int32),
            pltpu.VMEM((2, _FCHUNK), jnp.float32),
            pltpu.VMEM((_L,), jnp.float32),
            pltpu.SemaphoreType.DMA,
            pltpu.SemaphoreType.DMA,
            pltpu.SemaphoreType.DMA,
        ],
        compiler_params=pltpu.CompilerParams(
            use_tc_tiling_on_sc=True, needs_layout_passes=False),
    )
    def k(feat_hbm, lab_hbm, cent_hbm, out_hbm,
          tbl_v, lab_v, fch_v, acc_v, sem_t, sem_fa, sem_fb):
        wid = lax.axis_index("s") * _NC + lax.axis_index("c")
        sems = (sem_fa, sem_fb)

        tb0 = pltpu.async_copy(cent_hbm.at[wid], tbl_v, sem_t)
        lab_copy = pltpu.async_copy(lab_hbm, lab_v, sem_fa)
        lab_copy.wait()

        def feature_pass(r, acc):
            d = wid + r * _NW
            if r > 0:
                tb = pltpu.async_copy(cent_hbm.at[d], tbl_v, sem_t)
            else:
                tb = tb0
            copies = [pltpu.async_copy(
                feat_hbm.at[d, pl.ds(0, _FCHUNK)], fch_v.at[0], sems[0])]
            tb.wait()

            for j in range(_NFC):
                slot = j % 2
                if j + 1 < _NFC:
                    copies.append(pltpu.async_copy(
                        feat_hbm.at[d, pl.ds((j + 1) * _FCHUNK, _FCHUNK)],
                        fch_v.at[(j + 1) % 2], sems[(j + 1) % 2]))
                copies[j].wait()

                def vec_body(i, a2, j=j, slot=slot):
                    a2 = list(a2)
                    for u in range(_UNROLL):
                        off = (i * _UNROLL + u) * _L
                        idx = lab_v[pl.ds(j * _FCHUNK + off, _L)]
                        cv = plsc.load_gather(tbl_v, [idx])
                        fv = fch_v[slot, pl.ds(off, _L)]
                        dlt = fv - cv
                        a2[u % _NACC] = a2[u % _NACC] + dlt * dlt
                    return tuple(a2)

                acc = lax.fori_loop(
                    0, _FCHUNK // (_L * _UNROLL), vec_body, acc)
            return acc

        zero = jnp.zeros((_L,), jnp.float32)
        accs = (zero,) * _NACC
        for r in range(_DPW):
            accs = feature_pass(r, accs)
        total = accs[0]
        for t in accs[1:]:
            total = total + t
        acc_v[...] = total
        pltpu.sync_copy(acc_v, out_hbm.at[wid])

    return k(features_t, labels, centers_t)


def _reduce_body(p_ref, o_ref):
    o_ref[0, 0] = jnp.sum(p_ref[...]) * (0.5 / _BATCH)


def _final_reduce(partials):
    out = pl.pallas_call(
        _reduce_body,
        out_shape=jax.ShapeDtypeStruct((1, 1), jnp.float32),
        out_specs=pl.BlockSpec(memory_space=pltpu.SMEM),
    )(partials)
    return out[0, 0]


def kernel(features, labels, centers):
    labels = labels.astype(jnp.int32)
    partials = _sc_partials(features.T, labels, centers.T)
    return _final_reduce(partials)

# --- scband reference (transcript-rebuilt; emitter-appended) ---
"""Pipeline reference for scband-center-loss-3702261809640 (READ-ONLY COPY).

The authoritative reference and input builder live on the scoring server;
editing this copy changes nothing except your own understanding.
"""

import jax, jax.numpy as jnp
import numpy as np

NUM_CLASSES = 100000
FEAT_DIM = 64
BATCH = 16384

def _xavier_uniform(key, shape):
    fan_in, fan_out = shape[1], shape[0]
    limit = float(np.sqrt(6.0 / (fan_in + fan_out)))
    return jax.random.uniform(key, shape, dtype=jnp.float32, minval=-limit, maxval=limit)

def setup_inputs(seed: int = 0) -> dict:
    key = jax.random.key(seed)
    k1, k2, k3 = jax.random.split(key, 3)
    features = jax.random.normal(k1, (BATCH, FEAT_DIM), dtype=jnp.float32)
    labels = jax.random.randint(k2, (BATCH,), 0, NUM_CLASSES, dtype=jnp.int64 if jax.config.jax_enable_x64 else jnp.int32)
    centers = _xavier_uniform(k3, (NUM_CLASSES, FEAT_DIM))
    return {"features": features, "labels": labels, "centers": centers}

def reference(features, labels, centers):
    labels_long = labels.astype(jnp.int32)
    # embedding lookup: gather class centers for each sample
    centers_batch = jnp.take(centers, labels_long, axis=0)
    diff = features - centers_batch
    dist_sq = jnp.sum(diff ** 2, axis=1)
    loss = jnp.mean(dist_sq) / 2.0
    # center_separation_weight = 0.0 -> separation branch not taken
    return loss

if __name__ == "__main__":
    import jax
    _d = setup_inputs()
    print(jax.jit(kernel)(*tuple(_d.values())))

</pallas_src>

<mosaic_0001>
#map = affine_map<(d0, d1) -> (0, 0)>
#map1 = affine_map<(d0, d1) -> (0)>
module attributes {stable_mosaic.version = 14 : i64} {
  func.func @k(%arg0: i32, %arg1: i32, %arg2: memref<64x16384xf32, #tpu.memory_space<hbm>>, %arg3: memref<16384xi32, #tpu.memory_space<hbm>>, %arg4: memref<64x100000xf32, #tpu.memory_space<hbm>>, %arg5: memref<32x16xf32, #tpu.memory_space<hbm>>, %arg6: memref<100000xf32, #tpu.memory_space<vmem>>, %arg7: memref<16384xi32, #tpu.memory_space<vmem>>, %arg8: memref<2x4096xf32, #tpu.memory_space<vmem>>, %arg9: memref<16xf32, #tpu.memory_space<vmem>>, %arg10: memref<!tpu.dma_semaphore, #tpu.memory_space<semaphore_mem>>, %arg11: memref<!tpu.dma_semaphore, #tpu.memory_space<semaphore_mem>>, %arg12: memref<!tpu.dma_semaphore, #tpu.memory_space<semaphore_mem>>) attributes {dimension_semantics = [#tpu.dimension_semantics<core_parallel>, #tpu.dimension_semantics<subcore_parallel>], iteration_bounds = array<i64: 2, 16>, scalar_prefetch = 0 : i64, scratch_operands = 7 : i64, tpu.core_type = #tpu.core_type<sc_vector_subcore>, window_params = [{transform_indices = #map}, {transform_indices = #map1}, {transform_indices = #map}, {transform_indices = #map}]} {
    %mul3A = arith.constant 2 : i32
    %mul3A_0 = arith.muli %arg1, %mul3A : i32
    %add3A = arith.addi %mul3A_0, %arg0 : i32
    %dma_start3A = arith.constant 0 : i32
    %dma_start3A_1 = tpu.memref_slice %arg4[%add3A, %dma_start3A] : memref<64x100000xf32, #tpu.memory_space<hbm>> -> memref<1x100000xf32, #tpu.memory_space<hbm>>
    %dma_start3A_2 = tpu.memref_squeeze %dma_start3A_1 : memref<1x100000xf32, #tpu.memory_space<hbm>> -> memref<100000xf32, #tpu.memory_space<hbm>>
    %dma_start3A_3 = arith.constant 0 : i32
    %dma_start3A_4 = tpu.memref_slice %arg4[%add3A, %dma_start3A_3] : memref<64x100000xf32, #tpu.memory_space<hbm>> -> memref<1x100000xf32, #tpu.memory_space<hbm>>
    %dma_start3A_5 = tpu.memref_squeeze %dma_start3A_4 : memref<1x100000xf32, #tpu.memory_space<hbm>> -> memref<100000xf32, #tpu.memory_space<hbm>>
    tpu.enqueue_dma source(%dma_start3A_5 : memref<100000xf32, #tpu.memory_space<hbm>>) target(%arg6 : memref<100000xf32, #tpu.memory_space<vmem>>) target_semaphore(%arg10 : memref<!tpu.dma_semaphore, #tpu.memory_space<semaphore_mem>>)
    tpu.enqueue_dma source(%arg3 : memref<16384xi32, #tpu.memory_space<hbm>>) target(%arg7 : memref<16384xi32, #tpu.memory_space<vmem>>) target_semaphore(%arg11 : memref<!tpu.dma_semaphore, #tpu.memory_space<semaphore_mem>>)
    tpu.wait_dma2 semaphore(%arg11 : memref<!tpu.dma_semaphore, #tpu.memory_space<semaphore_mem>>) src(%arg3 : memref<16384xi32, #tpu.memory_space<hbm>>) dst(%arg7 : memref<16384xi32, #tpu.memory_space<vmem>>)
    %broadcast_in_dim3A = arith.constant 0.000000e+00 : f32
    %broadcast_in_dim3A_6 = vector.broadcast %broadcast_in_dim3A : f32 to vector<16xf32>
    %add3A_7 = arith.constant 0 : i32
    %add3A_8 = arith.addi %add3A, %add3A_7 : i32
    %dma_start3A_9 = arith.constant 0 : i32
    %dma_start3A_10 = arith.constant 0 : i32
    %dma_start3A_11 = tpu.memref_slice %arg8[%dma_start3A_9, %dma_start3A_10] : memref<2x4096xf32, #tpu.memory_space<vmem>> -> memref<1x4096xf32, #tpu.memory_space<vmem>>
    %dma_start3A_12 = tpu.memref_squeeze %dma_start3A_11 : memref<1x4096xf32, #tpu.memory_space<vmem>> -> memref<4096xf32, #tpu.memory_space<vmem>>
    %dma_start3A_13 = arith.constant 0 : i32
    %dma_start3A_14 = tpu.memref_slice %arg2[%add3A_8, %dma_start3A_13] : memref<64x16384xf32, #tpu.memory_space<hbm>> -> memref<1x4096xf32, #tpu.memory_space<hbm>>
    %dma_start3A_15 = tpu.memref_squeeze %dma_start3A_14 : memref<1x4096xf32, #tpu.memory_space<hbm>> -> memref<4096xf32, #tpu.memory_space<hbm>>
    %dma_start3A_16 = arith.constant 0 : i32
    %dma_start3A_17 = tpu.memref_slice %arg8[%dma_start3A_9, %dma_start3A_16] : memref<2x4096xf32, #tpu.memory_space<vmem>> -> memref<1x4096xf32, #tpu.memory_space<vmem>>
    %dma_start3A_18 = tpu.memref_squeeze %dma_start3A_17 : memref<1x4096xf32, #tpu.memory_space<vmem>> -> memref<4096xf32, #tpu.memory_space<vmem>>
    %dma_start3A_19 = arith.constant 0 : i32
    %dma_start3A_20 = tpu.memref_slice %arg2[%add3A_8, %dma_start3A_19] : memref<64x16384xf32, #tpu.memory_space<hbm>> -> memref<1x4096xf32, #tpu.memory_space<hbm>>
    %dma_start3A_21 = tpu.memref_squeeze %dma_start3A_20 : memref<1x4096xf32, #tpu.memory_space<hbm>> -> memref<4096xf32, #tpu.memory_space<hbm>>
    tpu.enqueue_dma source(%dma_start3A_21 : memref<4096xf32, #tpu.memory_space<hbm>>) target(%dma_start3A_18 : memref<4096xf32, #tpu.memory_space<vmem>>) target_semaphore(%arg11 : memref<!tpu.dma_semaphore, #tpu.memory_space<semaphore_mem>>)
    %dma_wait3A = arith.constant 0 : i32
    %dma_wait3A_22 = tpu.memref_slice %arg4[%add3A, %dma_wait3A] : memref<64x100000xf32, #tpu.memory_space<hbm>> -> memref<1x100000xf32, #tpu.memory_space<hbm>>
    %dma_wait3A_23 = tpu.memref_squeeze %dma_wait3A_22 : memref<1x100000xf32, #tpu.memory_space<hbm>> -> memref<100000xf32, #tpu.memory_space<hbm>>
    %dma_wait3A_24 = arith.constant 0 : i32
    %dma_wait3A_25 = tpu.memref_slice %arg4[%add3A, %dma_wait3A_24] : memref<64x100000xf32, #tpu.memory_space<hbm>> -> memref<1x100000xf32, #tpu.memory_space<hbm>>
    %dma_wait3A_26 = tpu.memref_squeeze %dma_wait3A_25 : memref<1x100000xf32, #tpu.memory_space<hbm>> -> memref<100000xf32, #tpu.memory_space<hbm>>
    tpu.wait_dma2 semaphore(%arg10 : memref<!tpu.dma_semaphore, #tpu.memory_space<semaphore_mem>>) src(%dma_wait3A_26 : memref<100000xf32, #tpu.memory_space<hbm>>) dst(%arg6 : memref<100000xf32, #tpu.memory_space<vmem>>)
    %dma_start3A_27 = arith.constant 1 : i32
    %dma_start3A_28 = arith.constant 0 : i32
    %dma_start3A_29 = tpu.memref_slice %arg8[%dma_start3A_27, %dma_start3A_28] : memref<2x4096xf32, #tpu.memory_space<vmem>> -> memref<1x4096xf32, #tpu.memory_space<vmem>>
    %dma_start3A_30 = tpu.memref_squeeze %dma_start3A_29 : memref<1x4096xf32, #tpu.memory_space<vmem>> -> memref<4096xf32, #tpu.memory_space<vmem>>
    %dma_start3A_31 = arith.constant 4096 : i32
    %dma_start3A_32 = tpu.memref_slice %arg2[%add3A_8, %dma_start3A_31] : memref<64x16384xf32, #tpu.memory_space<hbm>> -> memref<1x4096xf32, #tpu.memory_space<hbm>>
    %dma_start3A_33 = tpu.memref_squeeze %dma_start3A_32 : memref<1x4096xf32, #tpu.memory_space<hbm>> -> memref<4096xf32, #tpu.memory_space<hbm>>
    %dma_start3A_34 = arith.constant 0 : i32
    %dma_start3A_35 = tpu.memref_slice %arg8[%dma_start3A_27, %dma_start3A_34] : memref<2x4096xf32, #tpu.memory_space<vmem>> -> memref<1x4096xf32, #tpu.memory_space<vmem>>
    %dma_start3A_36 = tpu.memref_squeeze %dma_start3A_35 : memref<1x4096xf32, #tpu.memory_space<vmem>> -> memref<4096xf32, #tpu.memory_space<vmem>>
    %dma_start3A_37 = arith.constant 4096 : i32
    %dma_start3A_38 = tpu.memref_slice %arg2[%add3A_8, %dma_start3A_37] : memref<64x16384xf32, #tpu.memory_space<hbm>> -> memref<1x4096xf32, #tpu.memory_space<hbm>>
    %dma_start3A_39 = tpu.memref_squeeze %dma_start3A_38 : memref<1x4096xf32, #tpu.memory_space<hbm>> -> memref<4096xf32, #tpu.memory_space<hbm>>
    tpu.enqueue_dma source(%dma_start3A_39 : memref<4096xf32, #tpu.memory_space<hbm>>) target(%dma_start3A_36 : memref<4096xf32, #tpu.memory_space<vmem>>) target_semaphore(%arg12 : memref<!tpu.dma_semaphore, #tpu.memory_space<semaphore_mem>>)
    %dma_wait3A_40 = arith.constant 0 : i32
    %dma_wait3A_41 = arith.constant 0 : i32
    %dma_wait3A_42 = tpu.memref_slice %arg8[%dma_wait3A_40, %dma_wait3A_41] : memref<2x4096xf32, #tpu.memory_space<vmem>> -> memref<1x4096xf32, #tpu.memory_space<vmem>>
    %dma_wait3A_43 = tpu.memref_squeeze %dma_wait3A_42 : memref<1x4096xf32, #tpu.memory_space<vmem>> -> memref<4096xf32, #tpu.memory_space<vmem>>
    %dma_wait3A_44 = arith.constant 0 : i32
    %dma_wait3A_45 = tpu.memref_slice %arg2[%add3A_8, %dma_wait3A_44] : memref<64x16384xf32, #tpu.memory_space<hbm>> -> memref<1x4096xf32, #tpu.memory_space<hbm>>
    %dma_wait3A_46 = tpu.memref_squeeze %dma_wait3A_45 : memref<1x4096xf32, #tpu.memory_space<hbm>> -> memref<4096xf32, #tpu.memory_space<hbm>>
    %dma_wait3A_47 = arith.constant 0 : i32
    %dma_wait3A_48 = tpu.memref_slice %arg8[%dma_wait3A_40, %dma_wait3A_47] : memref<2x4096xf32, #tpu.memory_space<vmem>> -> memref<1x4096xf32, #tpu.memory_space<vmem>>
    %dma_wait3A_49 = tpu.memref_squeeze %dma_wait3A_48 : memref<1x4096xf32, #tpu.memory_space<vmem>> -> memref<4096xf32, #tpu.memory_space<vmem>>
    %dma_wait3A_50 = arith.constant 0 : i32
    %dma_wait3A_51 = tpu.memref_slice %arg2[%add3A_8, %dma_wait3A_50] : memref<64x16384xf32, #tpu.memory_space<hbm>> -> memref<1x4096xf32, #tpu.memory_space<hbm>>
    %dma_wait3A_52 = tpu.memref_squeeze %dma_wait3A_51 : memref<1x4096xf32, #tpu.memory_space<hbm>> -> memref<4096xf32, #tpu.memory_space<hbm>>
    tpu.wait_dma2 semaphore(%arg11 : memref<!tpu.dma_semaphore, #tpu.memory_space<semaphore_mem>>) src(%dma_wait3A_52 : memref<4096xf32, #tpu.memory_space<hbm>>) dst(%dma_wait3A_49 : memref<4096xf32, #tpu.memory_space<vmem>>)
    %scan3A = arith.constant 0 : i32
    %scan3A_53 = arith.constant 32 : i32
    %scan3A_54 = arith.addi %scan3A, %scan3A_53 : i32
    %scan3A_55 = arith.constant 1 : i32
    %scan3A_56:4 = scf.for %scan3A_287 = %scan3A to %scan3A_54 step %scan3A_55 iter_args(%scan3A_288 = %broadcast_in_dim3A_6, %scan3A_289 = %broadcast_in_dim3A_6, %scan3A_290 = %broadcast_in_dim3A_6, %scan3A_291 = %broadcast_in_dim3A_6) -> (vector<16xf32>, vector<16xf32>, vector<16xf32>, vector<16xf32>)  : i32 {
      %mul3A_292 = arith.constant 8 : i32
      %mul3A_293 = arith.muli %scan3A_287, %mul3A_292 : i32
      %add3A_294 = arith.constant 0 : i32
      %add3A_295 = arith.addi %mul3A_293, %add3A_294 : i32
      %mul3A_296 = arith.constant 16 : i32
      %mul3A_297 = arith.muli %add3A_295, %mul3A_296 : i32
      %add3A_298 = arith.constant 0 : i32
      %add3A_299 = arith.addi %add3A_298, %mul3A_297 : i32
      %get3A = arith.index_cast %add3A_299 : i32 to index
      %get3A_300 = tpu.vector_load %arg7[%get3A] {strides = array<i32>} : memref<16384xi32, #tpu.memory_space<vmem>>, vector<16xi32>,
      %gather3A = tpu.vector_load_idx %arg6[%get3A_300] : memref<100000xf32, #tpu.memory_space<vmem>>[vector<16xi32>], vector<16xf32>,
      %get3A_301 = arith.constant 0 : i32
      %get3A_302 = arith.index_cast %get3A_301 : i32 to index
      %get3A_303 = arith.index_cast %mul3A_297 : i32 to index
      %get3A_304 = tpu.vector_load %arg8[%get3A_302, %get3A_303] {strides = array<i32>} : memref<2x4096xf32, #tpu.memory_space<vmem>>, vector<16xf32>,
      %sub3A = arith.subf %get3A_304, %gather3A : vector<16xf32>
      %mul3A_305 = arith.mulf %sub3A, %sub3A : vector<16xf32>
      %add3A_306 = arith.addf %scan3A_288, %mul3A_305 : vector<16xf32>
      %mul3A_307 = arith.constant 8 : i32
      %mul3A_308 = arith.muli %scan3A_287, %mul3A_307 : i32
      %add3A_309 = arith.constant 1 : i32
      %add3A_310 = arith.addi %mul3A_308, %add3A_309 : i32
      %mul3A_311 = arith.constant 16 : i32
      %mul3A_312 = arith.muli %add3A_310, %mul3A_311 : i32
      %add3A_313 = arith.constant 0 : i32
      %add3A_314 = arith.addi %add3A_313, %mul3A_312 : i32
      %get3A_315 = arith.index_cast %add3A_314 : i32 to index
      %get3A_316 = tpu.vector_load %arg7[%get3A_315] {strides = array<i32>} : memref<16384xi32, #tpu.memory_space<vmem>>, vector<16xi32>,
      %gather3A_317 = tpu.vector_load_idx %arg6[%get3A_316] : memref<100000xf32, #tpu.memory_space<vmem>>[vector<16xi32>], vector<16xf32>,
      %get3A_318 = arith.constant 0 : i32
      %get3A_319 = arith.index_cast %get3A_318 : i32 to index
      %get3A_320 = arith.index_cast %mul3A_312 : i32 to index
      %get3A_321 = tpu.vector_load %arg8[%get3A_319, %get3A_320] {strides = array<i32>} : memref<2x4096xf32, #tpu.memory_space<vmem>>, vector<16xf32>,
      %sub3A_322 = arith.subf %get3A_321, %gather3A_317 : vector<16xf32>
      %mul3A_323 = arith.mulf %sub3A_322, %sub3A_322 : vector<16xf32>
      %add3A_324 = arith.addf %scan3A_289, %mul3A_323 : vector<16xf32>
      %mul3A_325 = arith.constant 8 : i32
      %mul3A_326 = arith.muli %scan3A_287, %mul3A_325 : i32
      %add3A_327 = arith.constant 2 : i32
      %add3A_328 = arith.addi %mul3A_326, %add3A_327 : i32
      %mul3A_329 = arith.constant 16 : i32
      %mul3A_330 = arith.muli %add3A_328, %mul3A_329 : i32
      %add3A_331 = arith.constant 0 : i32
      %add3A_332 = arith.addi %add3A_331, %mul3A_330 : i32
      %get3A_333 = arith.index_cast %add3A_332 : i32 to index
      %get3A_334 = tpu.vector_load %arg7[%get3A_333] {strides = array<i32>} : memref<16384xi32, #tpu.memory_space<vmem>>, vector<16xi32>,
      %gather3A_335 = tpu.vector_load_idx %arg6[%get3A_334] : memref<100000xf32, #tpu.memory_space<vmem>>[vector<16xi32>], vector<16xf32>,
      %get3A_336 = arith.constant 0 : i32
      %get3A_337 = arith.index_cast %get3A_336 : i32 to index
      %get3A_338 = arith.index_cast %mul3A_330 : i32 to index
      %get3A_339 = tpu.vector_load %arg8[%get3A_337, %get3A_338] {strides = array<i32>} : memref<2x4096xf32, #tpu.memory_space<vmem>>, vector<16xf32>,
      %sub3A_340 = arith.subf %get3A_339, %gather3A_335 : vector<16xf32>
      %mul3A_341 = arith.mulf %sub3A_340, %sub3A_340 : vector<16xf32>
      %add3A_342 = arith.addf %scan3A_290, %mul3A_341 : vector<16xf32>
      %mul3A_343 = arith.constant 8 : i32
      %mul3A_344 = arith.muli %scan3A_287, %mul3A_343 : i32
      %add3A_345 = arith.constant 3 : i32
      %add3A_346 = arith.addi %mul3A_344, %add3A_345 : i32
      %mul3A_347 = arith.constant 16 : i32
      %mul3A_348 = arith.muli %add3A_346, %mul3A_347 : i32
      %add3A_349 = arith.constant 0 : i32
      %add3A_350 = arith.addi %add3A_349, %mul3A_348 : i32
      %get3A_351 = arith.index_cast %add3A_350 : i32 to index
      %get3A_352 = tpu.vector_load %arg7[%get3A_351] {strides = array<i32>} : memref<16384xi32, #tpu.memory_space<vmem>>, vector<16xi32>,
      %gather3A_353 = tpu.vector_load_idx %arg6[%get3A_352] : memref<100000xf32, #tpu.memory_space<vmem>>[vector<16xi32>], vector<16xf32>,
      %get3A_354 = arith.constant 0 : i32
      %get3A_355 = arith.index_cast %get3A_354 : i32 to index
      %get3A_356 = arith.index_cast %mul3A_348 : i32 to index
      %get3A_357 = tpu.vector_load %arg8[%get3A_355, %get3A_356] {strides = array<i32>} : memref<2x4096xf32, #tpu.memory_space<vmem>>, vector<16xf32>,
      %sub3A_358 = arith.subf %get3A_357, %gather3A_353 : vector<16xf32>
      %mul3A_359 = arith.mulf %sub3A_358, %sub3A_358 : vector<16xf32>
      %add3A_360 = arith.addf %scan3A_291, %mul3A_359 : vector<16xf32>
      %mul3A_361 = arith.constant 8 : i32
      %mul3A_362 = arith.muli %scan3A_287, %mul3A_361 : i32
      %add3A_363 = arith.constant 4 : i32
      %add3A_364 = arith.addi %mul3A_362, %add3A_363 : i32
      %mul3A_365 = arith.constant 16 : i32
      %mul3A_366 = arith.muli %add3A_364, %mul3A_365 : i32
      %add3A_367 = arith.constant 0 : i32
      %add3A_368 = arith.addi %add3A_367, %mul3A_366 : i32
      %get3A_369 = arith.index_cast %add3A_368 : i32 to index
      %get3A_370 = tpu.vector_load %arg7[%get3A_369] {strides = array<i32>} : memref<16384xi32, #tpu.memory_space<vmem>>, vector<16xi32>,
      %gather3A_371 = tpu.vector_load_idx %arg6[%get3A_370] : memref<100000xf32, #tpu.memory_space<vmem>>[vector<16xi32>], vector<16xf32>,
      %get3A_372 = arith.constant 0 : i32
      %get3A_373 = arith.index_cast %get3A_372 : i32 to index
      %get3A_374 = arith.index_cast %mul3A_366 : i32 to index
      %get3A_375 = tpu.vector_load %arg8[%get3A_373, %get3A_374] {strides = array<i32>} : memref<2x4096xf32, #tpu.memory_space<vmem>>, vector<16xf32>,
      %sub3A_376 = arith.subf %get3A_375, %gather3A_371 : vector<16xf32>
      %mul3A_377 = arith.mulf %sub3A_376, %sub3A_376 : vector<16xf32>
      %add3A_378 = arith.addf %add3A_306, %mul3A_377 : vector<16xf32>
      %mul3A_379 = arith.constant 8 : i32
      %mul3A_380 = arith.muli %scan3A_287, %mul3A_379 : i32
      %add3A_381 = arith.constant 5 : i32
      %add3A_382 = arith.addi %mul3A_380, %add3A_381 : i32
      %mul3A_383 = arith.constant 16 : i32
      %mul3A_384 = arith.muli %add3A_382, %mul3A_383 : i32
      %add3A_385 = arith.constant 0 : i32
      %add3A_386 = arith.addi %add3A_385, %mul3A_384 : i32
      %get3A_387 = arith.index_cast %add3A_386 : i32 to index
      %get3A_388 = tpu.vector_load %arg7[%get3A_387] {strides = array<i32>} : memref<16384xi32, #tpu.memory_space<vmem>>, vector<16xi32>,
      %gather3A_389 = tpu.vector_load_idx %arg6[%get3A_388] : memref<100000xf32, #tpu.memory_space<vmem>>[vector<16xi32>], vector<16xf32>,
      %get3A_390 = arith.constant 0 : i32
      %get3A_391 = arith.index_cast %get3A_390 : i32 to index
      %get3A_392 = arith.index_cast %mul3A_384 : i32 to index
      %get3A_393 = tpu.vector_load %arg8[%get3A_391, %get3A_392] {strides = array<i32>} : memref<2x4096xf32, #tpu.memory_space<vmem>>, vector<16xf32>,
      %sub3A_394 = arith.subf %get3A_393, %gather3A_389 : vector<16xf32>
      %mul3A_395 = arith.mulf %sub3A_394, %sub3A_394 : vector<16xf32>
      %add3A_396 = arith.addf %add3A_324, %mul3A_395 : vector<16xf32>
      %mul3A_397 = arith.constant 8 : i32
      %mul3A_398 = arith.muli %scan3A_287, %mul3A_397 : i32
      %add3A_399 = arith.constant 6 : i32
      %add3A_400 = arith.addi %mul3A_398, %add3A_399 : i32
      %mul3A_401 = arith.constant 16 : i32
      %mul3A_402 = arith.muli %add3A_400, %mul3A_401 : i32
      %add3A_403 = arith.constant 0 : i32
      %add3A_404 = arith.addi %add3A_403, %mul3A_402 : i32
      %get3A_405 = arith.index_cast %add3A_404 : i32 to index
      %get3A_406 = tpu.vector_load %arg7[%get3A_405] {strides = array<i32>} : memref<16384xi32, #tpu.memory_space<vmem>>, vector<16xi32>,
      %gather3A_407 = tpu.vector_load_idx %arg6[%get3A_406] : memref<100000xf32, #tpu.memory_space<vmem>>[vector<16xi32>], vector<16xf32>,
      %get3A_408 = arith.constant 0 : i32
      %get3A_409 = arith.index_cast %get3A_408 : i32 to index
      %get3A_410 = arith.index_cast %mul3A_402 : i32 to index
      %get3A_411 = tpu.vector_load %arg8[%get3A_409, %get3A_410] {strides = array<i32>} : memref<2x4096xf32, #tpu.memory_space<vmem>>, vector<16xf32>,
      %sub3A_412 = arith.subf %get3A_411, %gather3A_407 : vector<16xf32>
      %mul3A_413 = arith.mulf %sub3A_412, %sub3A_412 : vector<16xf32>
      %add3A_414 = arith.addf %add3A_342, %mul3A_413 : vector<16xf32>
      %mul3A_415 = arith.constant 8 : i32
      %mul3A_416 = arith.muli %scan3A_287, %mul3A_415 : i32
      %add3A_417 = arith.constant 7 : i32
      %add3A_418 = arith.addi %mul3A_416, %add3A_417 : i32
      %mul3A_419 = arith.constant 16 : i32
      %mul3A_420 = arith.muli %add3A_418, %mul3A_419 : i32
      %add3A_421 = arith.constant 0 : i32
      %add3A_422 = arith.addi %add3A_421, %mul3A_420 : i32
      %get3A_423 = arith.index_cast %add3A_422 : i32 to index
      %get3A_424 = tpu.vector_load %arg7[%get3A_423] {strides = array<i32>} : memref<16384xi32, #tpu.memory_space<vmem>>, vector<16xi32>,
      %gather3A_425 = tpu.vector_load_idx %arg6[%get3A_424] : memref<100000xf32, #tpu.memory_space<vmem>>[vector<16xi32>], vector<16xf32>,
      %get3A_426 = arith.constant 0 : i32
      %get3A_427 = arith.index_cast %get3A_426 : i32 to index
      %get3A_428 = arith.index_cast %mul3A_420 : i32 to index
      %get3A_429 = tpu.vector_load %arg8[%get3A_427, %get3A_428] {strides = array<i32>} : memref<2x4096xf32, #tpu.memory_space<vmem>>, vector<16xf32>,
      %sub3A_430 = arith.subf %get3A_429, %gather3A_425 : vector<16xf32>
      %mul3A_431 = arith.mulf %sub3A_430, %sub3A_430 : vector<16xf32>
      %add3A_432 = arith.addf %add3A_360, %mul3A_431 : vector<16xf32>
      scf.yield %add3A_378, %add3A_396, %add3A_414, %add3A_432 : vector<16xf32>, vector<16xf32>, vector<16xf32>, vector<16xf32>
    }
    %scan3A_57 = arith.constant 32 : i32
    %dma_start3A_58 = arith.constant 0 : i32
    %dma_start3A_59 = arith.constant 0 : i32
    %dma_start3A_60 = tpu.memref_slice %arg8[%dma_start3A_58, %dma_start3A_59] : memref<2x4096xf32, #tpu.memory_space<vmem>> -> memref<1x4096xf32, #tpu.memory_space<vmem>>
    %dma_start3A_61 = tpu.memref_squeeze %dma_start3A_60 : memref<1x4096xf32, #tpu.memory_space<vmem>> -> memref<4096xf32, #tpu.memory_space<vmem>>
    %dma_start3A_62 = arith.constant 8192 : i32
    %dma_start3A_63 = tpu.memref_slice %arg2[%add3A_8, %dma_start3A_62] : memref<64x16384xf32, #tpu.memory_space<hbm>> -> memref<1x4096xf32, #tpu.memory_space<hbm>>
    %dma_start3A_64 = tpu.memref_squeeze %dma_start3A_63 : memref<1x4096xf32, #tpu.memory_space<hbm>> -> memref<4096xf32, #tpu.memory_space<hbm>>
    %dma_start3A_65 = arith.constant 0 : i32
    %dma_start3A_66 = tpu.memref_slice %arg8[%dma_start3A_58, %dma_start3A_65] : memref<2x4096xf32, #tpu.memory_space<vmem>> -> memref<1x4096xf32, #tpu.memory_space<vmem>>
    %dma_start3A_67 = tpu.memref_squeeze %dma_start3A_66 : memref<1x4096xf32, #tpu.memory_space<vmem>> -> memref<4096xf32, #tpu.memory_space<vmem>>
    %dma_start3A_68 = arith.constant 8192 : i32
    %dma_start3A_69 = tpu.memref_slice %arg2[%add3A_8, %dma_start3A_68] : memref<64x16384xf32, #tpu.memory_space<hbm>> -> memref<1x4096xf32, #tpu.memory_space<hbm>>
    %dma_start3A_70 = tpu.memref_squeeze %dma_start3A_69 : memref<1x4096xf32, #tpu.memory_space<hbm>> -> memref<4096xf32, #tpu.memory_space<hbm>>
    tpu.enqueue_dma source(%dma_start3A_70 : memref<4096xf32, #tpu.memory_space<hbm>>) target(%dma_start3A_67 : memref<4096xf32, #tpu.memory_space<vmem>>) target_semaphore(%arg11 : memref<!tpu.dma_semaphore, #tpu.memory_space<semaphore_mem>>)
    %dma_wait3A_71 = arith.constant 1 : i32
    %dma_wait3A_72 = arith.constant 0 : i32
    %dma_wait3A_73 = tpu.memref_slice %arg8[%dma_wait3A_71, %dma_wait3A_72] : memref<2x4096xf32, #tpu.memory_space<vmem>> -> memref<1x4096xf32, #tpu.memory_space<vmem>>
    %dma_wait3A_74 = tpu.memref_squeeze %dma_wait3A_73 : memref<1x4096xf32, #tpu.memory_space<vmem>> -> memref<4096xf32, #tpu.memory_space<vmem>>
    %dma_wait3A_75 = arith.constant 4096 : i32
    %dma_wait3A_76 = tpu.memref_slice %arg2[%add3A_8, %dma_wait3A_75] : memref<64x16384xf32, #tpu.memory_space<hbm>> -> memref<1x4096xf32, #tpu.memory_space<hbm>>
    %dma_wait3A_77 = tpu.memref_squeeze %dma_wait3A_76 : memref<1x4096xf32, #tpu.memory_space<hbm>> -> memref<4096xf32, #tpu.memory_space<hbm>>
    %dma_wait3A_78 = arith.constant 0 : i32
    %dma_wait3A_79 = tpu.memref_slice %arg8[%dma_wait3A_71, %dma_wait3A_78] : memref<2x4096xf32, #tpu.memory_space<vmem>> -> memref<1x4096xf32, #tpu.memory_space<vmem>>
    %dma_wait3A_80 = tpu.memref_squeeze %dma_wait3A_79 : memref<1x4096xf32, #tpu.memory_space<vmem>> -> memref<4096xf32, #tpu.memory_space<vmem>>
    %dma_wait3A_81 = arith.constant 4096 : i32
    %dma_wait3A_82 = tpu.memref_slice %arg2[%add3A_8, %dma_wait3A_81] : memref<64x16384xf32, #tpu.memory_space<hbm>> -> memref<1x4096xf32, #tpu.memory_space<hbm>>
    %dma_wait3A_83 = tpu.memref_squeeze %dma_wait3A_82 : memref<1x4096xf32, #tpu.memory_space<hbm>> -> memref<4096xf32, #tpu.memory_space<hbm>>
    tpu.wait_dma2 semaphore(%arg12 : memref<!tpu.dma_semaphore, #tpu.memory_space<semaphore_mem>>) src(%dma_wait3A_83 : memref<4096xf32, #tpu.memory_space<hbm>>) dst(%dma_wait3A_80 : memref<4096xf32, #tpu.memory_space<vmem>>)
    %scan3A_84 = arith.constant 0 : i32
    %scan3A_85 = arith.constant 32 : i32
    %scan3A_86 = arith.addi %scan3A_84, %scan3A_85 : i32
    %scan3A_87 = arith.constant 1 : i32
    %scan3A_88:4 = scf.for %scan3A_287 = %scan3A_84 to %scan3A_86 step %scan3A_87 iter_args(%scan3A_288 = %scan3A_56#0, %scan3A_289 = %scan3A_56#1, %scan3A_290 = %scan3A_56#2, %scan3A_291 = %scan3A_56#3) -> (vector<16xf32>, vector<16xf32>, vector<16xf32>, vector<16xf32>)  : i32 {
      %mul3A_292 = arith.constant 8 : i32
      %mul3A_293 = arith.muli %scan3A_287, %mul3A_292 : i32
      %add3A_294 = arith.constant 0 : i32
      %add3A_295 = arith.addi %mul3A_293, %add3A_294 : i32
      %mul3A_296 = arith.constant 16 : i32
      %mul3A_297 = arith.muli %add3A_295, %mul3A_296 : i32
      %add3A_298 = arith.constant 4096 : i32
      %add3A_299 = arith.addi %add3A_298, %mul3A_297 : i32
      %get3A = arith.index_cast %add3A_299 : i32 to index
      %get3A_300 = tpu.vector_load %arg7[%get3A] {strides = array<i32>} : memref<16384xi32, #tpu.memory_space<vmem>>, vector<16xi32>,
      %gather3A = tpu.vector_load_idx %arg6[%get3A_300] : memref<100000xf32, #tpu.memory_space<vmem>>[vector<16xi32>], vector<16xf32>,
      %get3A_301 = arith.constant 1 : i32
      %get3A_302 = arith.index_cast %get3A_301 : i32 to index
      %get3A_303 = arith.index_cast %mul3A_297 : i32 to index
      %get3A_304 = tpu.vector_load %arg8[%get3A_302, %get3A_303] {strides = array<i32>} : memref<2x4096xf32, #tpu.memory_space<vmem>>, vector<16xf32>,
      %sub3A = arith.subf %get3A_304, %gather3A : vector<16xf32>
      %mul3A_305 = arith.mulf %sub3A, %sub3A : vector<16xf32>
      %add3A_306 = arith.addf %scan3A_288, %mul3A_305 : vector<16xf32>
      %mul3A_307 = arith.constant 8 : i32
      %mul3A_308 = arith.muli %scan3A_287, %mul3A_307 : i32
      %add3A_309 = arith.constant 1 : i32
      %add3A_310 = arith.addi %mul3A_308, %add3A_309 : i32
      %mul3A_311 = arith.constant 16 : i32
      %mul3A_312 = arith.muli %add3A_310, %mul3A_311 : i32
      %add3A_313 = arith.constant 4096 : i32
      %add3A_314 = arith.addi %add3A_313, %mul3A_312 : i32
      %get3A_315 = arith.index_cast %add3A_314 : i32 to index
      %get3A_316 = tpu.vector_load %arg7[%get3A_315] {strides = array<i32>} : memref<16384xi32, #tpu.memory_space<vmem>>, vector<16xi32>,
      %gather3A_317 = tpu.vector_load_idx %arg6[%get3A_316] : memref<100000xf32, #tpu.memory_space<vmem>>[vector<16xi32>], vector<16xf32>,
      %get3A_318 = arith.constant 1 : i32
      %get3A_319 = arith.index_cast %get3A_318 : i32 to index
      %get3A_320 = arith.index_cast %mul3A_312 : i32 to index
      %get3A_321 = tpu.vector_load %arg8[%get3A_319, %get3A_320] {strides = array<i32>} : memref<2x4096xf32, #tpu.memory_space<vmem>>, vector<16xf32>,
      %sub3A_322 = arith.subf %get3A_321, %gather3A_317 : vector<16xf32>
      %mul3A_323 = arith.mulf %sub3A_322, %sub3A_322 : vector<16xf32>
      %add3A_324 = arith.addf %scan3A_289, %mul3A_323 : vector<16xf32>
      %mul3A_325 = arith.constant 8 : i32
      %mul3A_326 = arith.muli %scan3A_287, %mul3A_325 : i32
      %add3A_327 = arith.constant 2 : i32
      %add3A_328 = arith.addi %mul3A_326, %add3A_327 : i32
      %mul3A_329 = arith.constant 16 : i32
      %mul3A_330 = arith.muli %add3A_328, %mul3A_329 : i32
      %add3A_331 = arith.constant 4096 : i32
      %add3A_332 = arith.addi %add3A_331, %mul3A_330 : i32
      %get3A_333 = arith.index_cast %add3A_332 : i32 to index
      %get3A_334 = tpu.vector_load %arg7[%get3A_333] {strides = array<i32>} : memref<16384xi32, #tpu.memory_space<vmem>>, vector<16xi32>,
      %gather3A_335 = tpu.vector_load_idx %arg6[%get3A_334] : memref<100000xf32, #tpu.memory_space<vmem>>[vector<16xi32>], vector<16xf32>,
      %get3A_336 = arith.constant 1 : i32
      %get3A_337 = arith.index_cast %get3A_336 : i32 to index
      %get3A_338 = arith.index_cast %mul3A_330 : i32 to index
      %get3A_339 = tpu.vector_load %arg8[%get3A_337, %get3A_338] {strides = array<i32>} : memref<2x4096xf32, #tpu.memory_space<vmem>>, vector<16xf32>,
      %sub3A_340 = arith.subf %get3A_339, %gather3A_335 : vector<16xf32>
      %mul3A_341 = arith.mulf %sub3A_340, %sub3A_340 : vector<16xf32>
      %add3A_342 = arith.addf %scan3A_290, %mul3A_341 : vector<16xf32>
      %mul3A_343 = arith.constant 8 : i32
      %mul3A_344 = arith.muli %scan3A_287, %mul3A_343 : i32
      %add3A_345 = arith.constant 3 : i32
      %add3A_346 = arith.addi %mul3A_344, %add3A_345 : i32
      %mul3A_347 = arith.constant 16 : i32
      %mul3A_348 = arith.muli %add3A_346, %mul3A_347 : i32
      %add3A_349 = arith.constant 4096 : i32
      %add3A_350 = arith.addi %add3A_349, %mul3A_348 : i32
      %get3A_351 = arith.index_cast %add3A_350 : i32 to index
      %get3A_352 = tpu.vector_load %arg7[%get3A_351] {strides = array<i32>} : memref<16384xi32, #tpu.memory_space<vmem>>, vector<16xi32>,
      %gather3A_353 = tpu.vector_load_idx %arg6[%get3A_352] : memref<100000xf32, #tpu.memory_space<vmem>>[vector<16xi32>], vector<16xf32>,
      %get3A_354 = arith.constant 1 : i32
      %get3A_355 = arith.index_cast %get3A_354 : i32 to index
      %get3A_356 = arith.index_cast %mul3A_348 : i32 to index
      %get3A_357 = tpu.vector_load %arg8[%get3A_355, %get3A_356] {strides = array<i32>} : memref<2x4096xf32, #tpu.memory_space<vmem>>, vector<16xf32>,
      %sub3A_358 = arith.subf %get3A_357, %gather3A_353 : vector<16xf32>
      %mul3A_359 = arith.mulf %sub3A_358, %sub3A_358 : vector<16xf32>
      %add3A_360 = arith.addf %scan3A_291, %mul3A_359 : vector<16xf32>
      %mul3A_361 = arith.constant 8 : i32
      %mul3A_362 = arith.muli %scan3A_287, %mul3A_361 : i32
      %add3A_363 = arith.constant 4 : i32
      %add3A_364 = arith.addi %mul3A_362, %add3A_363 : i32
      %mul3A_365 = arith.constant 16 : i32
      %mul3A_366 = arith.muli %add3A_364, %mul3A_365 : i32
      %add3A_367 = arith.constant 4096 : i32
      %add3A_368 = arith.addi %add3A_367, %mul3A_366 : i32
      %get3A_369 = arith.index_cast %add3A_368 : i32 to index
      %get3A_370 = tpu.vector_load %arg7[%get3A_369] {strides = array<i32>} : memref<16384xi32, #tpu.memory_space<vmem>>, vector<16xi32>,
      %gather3A_371 = tpu.vector_load_idx %arg6[%get3A_370] : memref<100000xf32, #tpu.memory_space<vmem>>[vector<16xi32>], vector<16xf32>,
      %get3A_372 = arith.constant 1 : i32
      %get3A_373 = arith.index_cast %get3A_372 : i32 to index
      %get3A_374 = arith.index_cast %mul3A_366 : i32 to index
      %get3A_375 = tpu.vector_load %arg8[%get3A_373, %get3A_374] {strides = array<i32>} : memref<2x4096xf32, #tpu.memory_space<vmem>>, vector<16xf32>,
      %sub3A_376 = arith.subf %get3A_375, %gather3A_371 : vector<16xf32>
      %mul3A_377 = arith.mulf %sub3A_376, %sub3A_376 : vector<16xf32>
      %add3A_378 = arith.addf %add3A_306, %mul3A_377 : vector<16xf32>
      %mul3A_379 = arith.constant 8 : i32
      %mul3A_380 = arith.muli %scan3A_287, %mul3A_379 : i32
      %add3A_381 = arith.constant 5 : i32
      %add3A_382 = arith.addi %mul3A_380, %add3A_381 : i32
      %mul3A_383 = arith.constant 16 : i32
      %mul3A_384 = arith.muli %add3A_382, %mul3A_383 : i32
      %add3A_385 = arith.constant 4096 : i32
      %add3A_386 = arith.addi %add3A_385, %mul3A_384 : i32
      %get3A_387 = arith.index_cast %add3A_386 : i32 to index
      %get3A_388 = tpu.vector_load %arg7[%get3A_387] {strides = array<i32>} : memref<16384xi32, #tpu.memory_space<vmem>>, vector<16xi32>,
      %gather3A_389 = tpu.vector_load_idx %arg6[%get3A_388] : memref<100000xf32, #tpu.memory_space<vmem>>[vector<16xi32>], vector<16xf32>,
      %get3A_390 = arith.constant 1 : i32
      %get3A_391 = arith.index_cast %get3A_390 : i32 to index
      %get3A_392 = arith.index_cast %mul3A_384 : i32 to index
      %get3A_393 = tpu.vector_load %arg8[%get3A_391, %get3A_392] {strides = array<i32>} : memref<2x4096xf32, #tpu.memory_space<vmem>>, vector<16xf32>,
      %sub3A_394 = arith.subf %get3A_393, %gather3A_389 : vector<16xf32>
      %mul3A_395 = arith.mulf %sub3A_394, %sub3A_394 : vector<16xf32>
      %add3A_396 = arith.addf %add3A_324, %mul3A_395 : vector<16xf32>
      %mul3A_397 = arith.constant 8 : i32
      %mul3A_398 = arith.muli %scan3A_287, %mul3A_397 : i32
      %add3A_399 = arith.constant 6 : i32
      %add3A_400 = arith.addi %mul3A_398, %add3A_399 : i32
      %mul3A_401 = arith.constant 16 : i32
      %mul3A_402 = arith.muli %add3A_400, %mul3A_401 : i32
      %add3A_403 = arith.constant 4096 : i32
      %add3A_404 = arith.addi %add3A_403, %mul3A_402 : i32
      %get3A_405 = arith.index_cast %add3A_404 : i32 to index
      %get3A_406 = tpu.vector_load %arg7[%get3A_405] {strides = array<i32>} : memref<16384xi32, #tpu.memory_space<vmem>>, vector<16xi32>,
      %gather3A_407 = tpu.vector_load_idx %arg6[%get3A_406] : memref<100000xf32, #tpu.memory_space<vmem>>[vector<16xi32>], vector<16xf32>,
      %get3A_408 = arith.constant 1 : i32
      %get3A_409 = arith.index_cast %get3A_408 : i32 to index
      %get3A_410 = arith.index_cast %mul3A_402 : i32 to index
      %get3A_411 = tpu.vector_load %arg8[%get3A_409, %get3A_410] {strides = array<i32>} : memref<2x4096xf32, #tpu.memory_space<vmem>>, vector<16xf32>,
      %sub3A_412 = arith.subf %get3A_411, %gather3A_407 : vector<16xf32>
      %mul3A_413 = arith.mulf %sub3A_412, %sub3A_412 : vector<16xf32>
      %add3A_414 = arith.addf %add3A_342, %mul3A_413 : vector<16xf32>
      %mul3A_415 = arith.constant 8 : i32
      %mul3A_416 = arith.muli %scan3A_287, %mul3A_415 : i32
      %add3A_417 = arith.constant 7 : i32
      %add3A_418 = arith.addi %mul3A_416, %add3A_417 : i32
      %mul3A_419 = arith.constant 16 : i32
      %mul3A_420 = arith.muli %add3A_418, %mul3A_419 : i32
      %add3A_421 = arith.constant 4096 : i32
      %add3A_422 = arith.addi %add3A_421, %mul3A_420 : i32
      %get3A_423 = arith.index_cast %add3A_422 : i32 to index
      %get3A_424 = tpu.vector_load %arg7[%get3A_423] {strides = array<i32>} : memref<16384xi32, #tpu.memory_space<vmem>>, vector<16xi32>,
      %gather3A_425 = tpu.vector_load_idx %arg6[%get3A_424] : memref<100000xf32, #tpu.memory_space<vmem>>[vector<16xi32>], vector<16xf32>,
      %get3A_426 = arith.constant 1 : i32
      %get3A_427 = arith.index_cast %get3A_426 : i32 to index
      %get3A_428 = arith.index_cast %mul3A_420 : i32 to index
      %get3A_429 = tpu.vector_load %arg8[%get3A_427, %get3A_428] {strides = array<i32>} : memref<2x4096xf32, #tpu.memory_space<vmem>>, vector<16xf32>,
      %sub3A_430 = arith.subf %get3A_429, %gather3A_425 : vector<16xf32>
      %mul3A_431 = arith.mulf %sub3A_430, %sub3A_430 : vector<16xf32>
      %add3A_432 = arith.addf %add3A_360, %mul3A_431 : vector<16xf32>
      scf.yield %add3A_378, %add3A_396, %add3A_414, %add3A_432 : vector<16xf32>, vector<16xf32>, vector<16xf32>, vector<16xf32>
    }
    %scan3A_89 = arith.constant 32 : i32
    %dma_start3A_90 = arith.constant 1 : i32
    %dma_start3A_91 = arith.constant 0 : i32
    %dma_start3A_92 = tpu.memref_slice %arg8[%dma_start3A_90, %dma_start3A_91] : memref<2x4096xf32, #tpu.memory_space<vmem>> -> memref<1x4096xf32, #tpu.memory_space<vmem>>
    %dma_start3A_93 = tpu.memref_squeeze %dma_start3A_92 : memref<1x4096xf32, #tpu.memory_space<vmem>> -> memref<4096xf32, #tpu.memory_space<vmem>>
    %dma_start3A_94 = arith.constant 12288 : i32
    %dma_start3A_95 = tpu.memref_slice %arg2[%add3A_8, %dma_start3A_94] : memref<64x16384xf32, #tpu.memory_space<hbm>> -> memref<1x4096xf32, #tpu.memory_space<hbm>>
    %dma_start3A_96 = tpu.memref_squeeze %dma_start3A_95 : memref<1x4096xf32, #tpu.memory_space<hbm>> -> memref<4096xf32, #tpu.memory_space<hbm>>
    %dma_start3A_97 = arith.constant 0 : i32
    %dma_start3A_98 = tpu.memref_slice %arg8[%dma_start3A_90, %dma_start3A_97] : memref<2x4096xf32, #tpu.memory_space<vmem>> -> memref<1x4096xf32, #tpu.memory_space<vmem>>
    %dma_start3A_99 = tpu.memref_squeeze %dma_start3A_98 : memref<1x4096xf32, #tpu.memory_space<vmem>> -> memref<4096xf32, #tpu.memory_space<vmem>>
    %dma_start3A_100 = arith.constant 12288 : i32
    %dma_start3A_101 = tpu.memref_slice %arg2[%add3A_8, %dma_start3A_100] : memref<64x16384xf32, #tpu.memory_space<hbm>> -> memref<1x4096xf32, #tpu.memory_space<hbm>>
    %dma_start3A_102 = tpu.memref_squeeze %dma_start3A_101 : memref<1x4096xf32, #tpu.memory_space<hbm>> -> memref<4096xf32, #tpu.memory_space<hbm>>
    tpu.enqueue_dma source(%dma_start3A_102 : memref<4096xf32, #tpu.memory_space<hbm>>) target(%dma_start3A_99 : memref<4096xf32, #tpu.memory_space<vmem>>) target_semaphore(%arg12 : memref<!tpu.dma_semaphore, #tpu.memory_space<semaphore_mem>>)
    %dma_wait3A_103 = arith.constant 0 : i32
    %dma_wait3A_104 = arith.constant 0 : i32
    %dma_wait3A_105 = tpu.memref_slice %arg8[%dma_wait3A_103, %dma_wait3A_104] : memref<2x4096xf32, #tpu.memory_space<vmem>> -> memref<1x4096xf32, #tpu.memory_space<vmem>>
    %dma_wait3A_106 = tpu.memref_squeeze %dma_wait3A_105 : memref<1x4096xf32, #tpu.memory_space<vmem>> -> memref<4096xf32, #tpu.memory_space<vmem>>
    %dma_wait3A_107 = arith.constant 8192 : i32
    %dma_wait3A_108 = tpu.memref_slice %arg2[%add3A_8, %dma_wait3A_107] : memref<64x16384xf32, #tpu.memory_space<hbm>> -> memref<1x4096xf32, #tpu.memory_space<hbm>>
    %dma_wait3A_109 = tpu.memref_squeeze %dma_wait3A_108 : memref<1x4096xf32, #tpu.memory_space<hbm>> -> memref<4096xf32, #tpu.memory_space<hbm>>
    %dma_wait3A_110 = arith.constant 0 : i32
    %dma_wait3A_111 = tpu.memref_slice %arg8[%dma_wait3A_103, %dma_wait3A_110] : memref<2x4096xf32, #tpu.memory_space<vmem>> -> memref<1x4096xf32, #tpu.memory_space<vmem>>
    %dma_wait3A_112 = tpu.memref_squeeze %dma_wait3A_111 : memref<1x4096xf32, #tpu.memory_space<vmem>> -> memref<4096xf32, #tpu.memory_space<vmem>>
    %dma_wait3A_113 = arith.constant 8192 : i32
    %dma_wait3A_114 = tpu.memref_slice %arg2[%add3A_8, %dma_wait3A_113] : memref<64x16384xf32, #tpu.memory_space<hbm>> -> memref<1x4096xf32, #tpu.memory_space<hbm>>
    %dma_wait3A_115 = tpu.memref_squeeze %dma_wait3A_114 : memref<1x4096xf32, #tpu.memory_space<hbm>> -> memref<4096xf32, #tpu.memory_space<hbm>>
    tpu.wait_dma2 semaphore(%arg11 : memref<!tpu.dma_semaphore, #tpu.memory_space<semaphore_mem>>) src(%dma_wait3A_115 : memref<4096xf32, #tpu.memory_space<hbm>>) dst(%dma_wait3A_112 : memref<4096xf32, #tpu.memory_space<vmem>>)
    %scan3A_116 = arith.constant 0 : i32
    %scan3A_117 = arith.constant 32 : i32
    %scan3A_118 = arith.addi %scan3A_116, %scan3A_117 : i32
    %scan3A_119 = arith.constant 1 : i32
    %scan3A_120:4 = scf.for %scan3A_287 = %scan3A_116 to %scan3A_118 step %scan3A_119 iter_args(%scan3A_288 = %scan3A_88#0, %scan3A_289 = %scan3A_88#1, %scan3A_290 = %scan3A_88#2, %scan3A_291 = %scan3A_88#3) -> (vector<16xf32>, vector<16xf32>, vector<16xf32>, vector<16xf32>)  : i32 {
      %mul3A_292 = arith.constant 8 : i32
      %mul3A_293 = arith.muli %scan3A_287, %mul3A_292 : i32
      %add3A_294 = arith.constant 0 : i32
      %add3A_295 = arith.addi %mul3A_293, %add3A_294 : i32
      %mul3A_296 = arith.constant 16 : i32
      %mul3A_297 = arith.muli %add3A_295, %mul3A_296 : i32
      %add3A_298 = arith.constant 8192 : i32
      %add3A_299 = arith.addi %add3A_298, %mul3A_297 : i32
      %get3A = arith.index_cast %add3A_299 : i32 to index
      %get3A_300 = tpu.vector_load %arg7[%get3A] {strides = array<i32>} : memref<16384xi32, #tpu.memory_space<vmem>>, vector<16xi32>,
      %gather3A = tpu.vector_load_idx %arg6[%get3A_300] : memref<100000xf32, #tpu.memory_space<vmem>>[vector<16xi32>], vector<16xf32>,
      %get3A_301 = arith.constant 0 : i32
      %get3A_302 = arith.index_cast %get3A_301 : i32 to index
      %get3A_303 = arith.index_cast %mul3A_297 : i32 to index
      %get3A_304 = tpu.vector_load %arg8[%get3A_302, %get3A_303] {strides = array<i32>} : memref<2x4096xf32, #tpu.memory_space<vmem>>, vector<16xf32>,
      %sub3A = arith.subf %get3A_304, %gather3A : vector<16xf32>
      %mul3A_305 = arith.mulf %sub3A, %sub3A : vector<16xf32>
      %add3A_306 = arith.addf %scan3A_288, %mul3A_305 : vector<16xf32>
      %mul3A_307 = arith.constant 8 : i32
      %mul3A_308 = arith.muli %scan3A_287, %mul3A_307 : i32
      %add3A_309 = arith.constant 1 : i32
      %add3A_310 = arith.addi %mul3A_308, %add3A_309 : i32
      %mul3A_311 = arith.constant 16 : i32
      %mul3A_312 = arith.muli %add3A_310, %mul3A_311 : i32
      %add3A_313 = arith.constant 8192 : i32
      %add3A_314 = arith.addi %add3A_313, %mul3A_312 : i32
      %get3A_315 = arith.index_cast %add3A_314 : i32 to index
      %get3A_316 = tpu.vector_load %arg7[%get3A_315] {strides = array<i32>} : memref<16384xi32, #tpu.memory_space<vmem>>, vector<16xi32>,
      %gather3A_317 = tpu.vector_load_idx %arg6[%get3A_316] : memref<100000xf32, #tpu.memory_space<vmem>>[vector<16xi32>], vector<16xf32>,
      %get3A_318 = arith.constant 0 : i32
      %get3A_319 = arith.index_cast %get3A_318 : i32 to index
      %get3A_320 = arith.index_cast %mul3A_312 : i32 to index
      %get3A_321 = tpu.vector_load %arg8[%get3A_319, %get3A_320] {strides = array<i32>} : memref<2x4096xf32, #tpu.memory_space<vmem>>, vector<16xf32>,
      %sub3A_322 = arith.subf %get3A_321, %gather3A_317 : vector<16xf32>
      %mul3A_323 = arith.mulf %sub3A_322, %sub3A_322 : vector<16xf32>
      %add3A_324 = arith.addf %scan3A_289, %mul3A_323 : vector<16xf32>
      %mul3A_325 = arith.constant 8 : i32
      %mul3A_326 = arith.muli %scan3A_287, %mul3A_325 : i32
      %add3A_327 = arith.constant 2 : i32
      %add3A_328 = arith.addi %mul3A_326, %add3A_327 : i32
      %mul3A_329 = arith.constant 16 : i32
      %mul3A_330 = arith.muli %add3A_328, %mul3A_329 : i32
      %add3A_331 = arith.constant 8192 : i32
      %add3A_332 = arith.addi %add3A_331, %mul3A_330 : i32
      %get3A_333 = arith.index_cast %add3A_332 : i32 to index
      %get3A_334 = tpu.vector_load %arg7[%get3A_333] {strides = array<i32>} : memref<16384xi32, #tpu.memory_space<vmem>>, vector<16xi32>,
      %gather3A_335 = tpu.vector_load_idx %arg6[%get3A_334] : memref<100000xf32, #tpu.memory_space<vmem>>[vector<16xi32>], vector<16xf32>,
      %get3A_336 = arith.constant 0 : i32
      %get3A_337 = arith.index_cast %get3A_336 : i32 to index
      %get3A_338 = arith.index_cast %mul3A_330 : i32 to index
      %get3A_339 = tpu.vector_load %arg8[%get3A_337, %get3A_338] {strides = array<i32>} : memref<2x4096xf32, #tpu.memory_space<vmem>>, vector<16xf32>,
      %sub3A_340 = arith.subf %get3A_339, %gather3A_335 : vector<16xf32>
      %mul3A_341 = arith.mulf %sub3A_340, %sub3A_340 : vector<16xf32>
      %add3A_342 = arith.addf %scan3A_290, %mul3A_341 : vector<16xf32>
      %mul3A_343 = arith.constant 8 : i32
      %mul3A_344 = arith.muli %scan3A_287, %mul3A_343 : i32
      %add3A_345 = arith.constant 3 : i32
      %add3A_346 = arith.addi %mul3A_344, %add3A_345 : i32
      %mul3A_347 = arith.constant 16 : i32
      %mul3A_348 = arith.muli %add3A_346, %mul3A_347 : i32
      %add3A_349 = arith.constant 8192 : i32
      %add3A_350 = arith.addi %add3A_349, %mul3A_348 : i32
      %get3A_351 = arith.index_cast %add3A_350 : i32 to index
      %get3A_352 = tpu.vector_load %arg7[%get3A_351] {strides = array<i32>} : memref<16384xi32, #tpu.memory_space<vmem>>, vector<16xi32>,
      %gather3A_353 = tpu.vector_load_idx %arg6[%get3A_352] : memref<100000xf32, #tpu.memory_space<vmem>>[vector<16xi32>], vector<16xf32>,
      %get3A_354 = arith.constant 0 : i32
      %get3A_355 = arith.index_cast %get3A_354 : i32 to index
      %get3A_356 = arith.index_cast %mul3A_348 : i32 to index
      %get3A_357 = tpu.vector_load %arg8[%get3A_355, %get3A_356] {strides = array<i32>} : memref<2x4096xf32, #tpu.memory_space<vmem>>, vector<16xf32>,
      %sub3A_358 = arith.subf %get3A_357, %gather3A_353 : vector<16xf32>
      %mul3A_359 = arith.mulf %sub3A_358, %sub3A_358 : vector<16xf32>
      %add3A_360 = arith.addf %scan3A_291, %mul3A_359 : vector<16xf32>
      %mul3A_361 = arith.constant 8 : i32
      %mul3A_362 = arith.muli %scan3A_287, %mul3A_361 : i32
      %add3A_363 = arith.constant 4 : i32
      %add3A_364 = arith.addi %mul3A_362, %add3A_363 : i32
      %mul3A_365 = arith.constant 16 : i32
      %mul3A_366 = arith.muli %add3A_364, %mul3A_365 : i32
      %add3A_367 = arith.constant 8192 : i32
      %add3A_368 = arith.addi %add3A_367, %mul3A_366 : i32
      %get3A_369 = arith.index_cast %add3A_368 : i32 to index
      %get3A_370 = tpu.vector_load %arg7[%get3A_369] {strides = array<i32>} : memref<16384xi32, #tpu.memory_space<vmem>>, vector<16xi32>,
      %gather3A_371 = tpu.vector_load_idx %arg6[%get3A_370] : memref<100000xf32, #tpu.memory_space<vmem>>[vector<16xi32>], vector<16xf32>,
      %get3A_372 = arith.constant 0 : i32
      %get3A_373 = arith.index_cast %get3A_372 : i32 to index
      %get3A_374 = arith.index_cast %mul3A_366 : i32 to index
      %get3A_375 = tpu.vector_load %arg8[%get3A_373, %get3A_374] {strides = array<i32>} : memref<2x4096xf32, #tpu.memory_space<vmem>>, vector<16xf32>,
      %sub3A_376 = arith.subf %get3A_375, %gather3A_371 : vector<16xf32>
      %mul3A_377 = arith.mulf %sub3A_376, %sub3A_376 : vector<16xf32>
      %add3A_378 = arith.addf %add3A_306, %mul3A_377 : vector<16xf32>
      %mul3A_379 = arith.constant 8 : i32
      %mul3A_380 = arith.muli %scan3A_287, %mul3A_379 : i32
      %add3A_381 = arith.constant 5 : i32
      %add3A_382 = arith.addi %mul3A_380, %add3A_381 : i32
      %mul3A_383 = arith.constant 16 : i32
      %mul3A_384 = arith.muli %add3A_382, %mul3A_383 : i32
      %add3A_385 = arith.constant 8192 : i32
      %add3A_386 = arith.addi %add3A_385, %mul3A_384 : i32
      %get3A_387 = arith.index_cast %add3A_386 : i32 to index
      %get3A_388 = tpu.vector_load %arg7[%get3A_387] {strides = array<i32>} : memref<16384xi32, #tpu.memory_space<vmem>>, vector<16xi32>,
      %gather3A_389 = tpu.vector_load_idx %arg6[%get3A_388] : memref<100000xf32, #tpu.memory_space<vmem>>[vector<16xi32>], vector<16xf32>,
      %get3A_390 = arith.constant 0 : i32
      %get3A_391 = arith.index_cast %get3A_390 : i32 to index
      %get3A_392 = arith.index_cast %mul3A_384 : i32 to index
      %get3A_393 = tpu.vector_load %arg8[%get3A_391, %get3A_392] {strides = array<i32>} : memref<2x4096xf32, #tpu.memory_space<vmem>>, vector<16xf32>,
      %sub3A_394 = arith.subf %get3A_393, %gather3A_389 : vector<16xf32>
      %mul3A_395 = arith.mulf %sub3A_394, %sub3A_394 : vector<16xf32>
      %add3A_396 = arith.addf %add3A_324, %mul3A_395 : vector<16xf32>
      %mul3A_397 = arith.constant 8 : i32
      %mul3A_398 = arith.muli %scan3A_287, %mul3A_397 : i32
      %add3A_399 = arith.constant 6 : i32
      %add3A_400 = arith.addi %mul3A_398, %add3A_399 : i32
      %mul3A_401 = arith.constant 16 : i32
      %mul3A_402 = arith.muli %add3A_400, %mul3A_401 : i32
      %add3A_403 = arith.constant 8192 : i32
      %add3A_404 = arith.addi %add3A_403, %mul3A_402 : i32
      %get3A_405 = arith.index_cast %add3A_404 : i32 to index
      %get3A_406 = tpu.vector_load %arg7[%get3A_405] {strides = array<i32>} : memref<16384xi32, #tpu.memory_space<vmem>>, vector<16xi32>,
      %gather3A_407 = tpu.vector_load_idx %arg6[%get3A_406] : memref<100000xf32, #tpu.memory_space<vmem>>[vector<16xi32>], vector<16xf32>,
      %get3A_408 = arith.constant 0 : i32
      %get3A_409 = arith.index_cast %get3A_408 : i32 to index
      %get3A_410 = arith.index_cast %mul3A_402 : i32 to index
      %get3A_411 = tpu.vector_load %arg8[%get3A_409, %get3A_410] {strides = array<i32>} : memref<2x4096xf32, #tpu.memory_space<vmem>>, vector<16xf32>,
      %sub3A_412 = arith.subf %get3A_411, %gather3A_407 : vector<16xf32>
      %mul3A_413 = arith.mulf %sub3A_412, %sub3A_412 : vector<16xf32>
      %add3A_414 = arith.addf %add3A_342, %mul3A_413 : vector<16xf32>
      %mul3A_415 = arith.constant 8 : i32
      %mul3A_416 = arith.muli %scan3A_287, %mul3A_415 : i32
      %add3A_417 = arith.constant 7 : i32
      %add3A_418 = arith.addi %mul3A_416, %add3A_417 : i32
      %mul3A_419 = arith.constant 16 : i32
      %mul3A_420 = arith.muli %add3A_418, %mul3A_419 : i32
      %add3A_421 = arith.constant 8192 : i32
      %add3A_422 = arith.addi %add3A_421, %mul3A_420 : i32
      %get3A_423 = arith.index_cast %add3A_422 : i32 to index
      %get3A_424 = tpu.vector_load %arg7[%get3A_423] {strides = array<i32>} : memref<16384xi32, #tpu.memory_space<vmem>>, vector<16xi32>,
      %gather3A_425 = tpu.vector_load_idx %arg6[%get3A_424] : memref<100000xf32, #tpu.memory_space<vmem>>[vector<16xi32>], vector<16xf32>,
      %get3A_426 = arith.constant 0 : i32
      %get3A_427 = arith.index_cast %get3A_426 : i32 to index
      %get3A_428 = arith.index_cast %mul3A_420 : i32 to index
      %get3A_429 = tpu.vector_load %arg8[%get3A_427, %get3A_428] {strides = array<i32>} : memref<2x4096xf32, #tpu.memory_space<vmem>>, vector<16xf32>,
      %sub3A_430 = arith.subf %get3A_429, %gather3A_425 : vector<16xf32>
      %mul3A_431 = arith.mulf %sub3A_430, %sub3A_430 : vector<16xf32>
      %add3A_432 = arith.addf %add3A_360, %mul3A_431 : vector<16xf32>
      scf.yield %add3A_378, %add3A_396, %add3A_414, %add3A_432 : vector<16xf32>, vector<16xf32>, vector<16xf32>, vector<16xf32>
    }
    %scan3A_121 = arith.constant 32 : i32
    %dma_wait3A_122 = arith.constant 1 : i32
    %dma_wait3A_123 = arith.constant 0 : i32
    %dma_wait3A_124 = tpu.memref_slice %arg8[%dma_wait3A_122, %dma_wait3A_123] : memref<2x4096xf32, #tpu.memory_space<vmem>> -> memref<1x4096xf32, #tpu.memory_space<vmem>>
    %dma_wait3A_125 = tpu.memref_squeeze %dma_wait3A_124 : memref<1x4096xf32, #tpu.memory_space<vmem>> -> memref<4096xf32, #tpu.memory_space<vmem>>
    %dma_wait3A_126 = arith.constant 12288 : i32
    %dma_wait3A_127 = tpu.memref_slice %arg2[%add3A_8, %dma_wait3A_126] : memref<64x16384xf32, #tpu.memory_space<hbm>> -> memref<1x4096xf32, #tpu.memory_space<hbm>>
    %dma_wait3A_128 = tpu.memref_squeeze %dma_wait3A_127 : memref<1x4096xf32, #tpu.memory_space<hbm>> -> memref<4096xf32, #tpu.memory_space<hbm>>
    %dma_wait3A_129 = arith.constant 0 : i32
    %dma_wait3A_130 = tpu.memref_slice %arg8[%dma_wait3A_122, %dma_wait3A_129] : memref<2x4096xf32, #tpu.memory_space<vmem>> -> memref<1x4096xf32, #tpu.memory_space<vmem>>
    %dma_wait3A_131 = tpu.memref_squeeze %dma_wait3A_130 : memref<1x4096xf32, #tpu.memory_space<vmem>> -> memref<4096xf32, #tpu.memory_space<vmem>>
    %dma_wait3A_132 = arith.constant 12288 : i32
    %dma_wait3A_133 = tpu.memref_slice %arg2[%add3A_8, %dma_wait3A_132] : memref<64x16384xf32, #tpu.memory_space<hbm>> -> memref<1x4096xf32, #tpu.memory_space<hbm>>
    %dma_wait3A_134 = tpu.memref_squeeze %dma_wait3A_133 : memref<1x4096xf32, #tpu.memory_space<hbm>> -> memref<4096xf32, #tpu.memory_space<hbm>>
    tpu.wait_dma2 semaphore(%arg12 : memref<!tpu.dma_semaphore, #tpu.memory_space<semaphore_mem>>) src(%dma_wait3A_134 : memref<4096xf32, #tpu.memory_space<hbm>>) dst(%dma_wait3A_131 : memref<4096xf32, #tpu.memory_space<vmem>>)
    %scan3A_135 = arith.constant 0 : i32
    %scan3A_136 = arith.constant 32 : i32
    %scan3A_137 = arith.addi %scan3A_135, %scan3A_136 : i32
    %scan3A_138 = arith.constant 1 : i32
    %scan3A_139:4 = scf.for %scan3A_287 = %scan3A_135 to %scan3A_137 step %scan3A_138 iter_args(%scan3A_288 = %scan3A_120#0, %scan3A_289 = %scan3A_120#1, %scan3A_290 = %scan3A_120#2, %scan3A_291 = %scan3A_120#3) -> (vector<16xf32>, vector<16xf32>, vector<16xf32>, vector<16xf32>)  : i32 {
      %mul3A_292 = arith.constant 8 : i32
      %mul3A_293 = arith.muli %scan3A_287, %mul3A_292 : i32
      %add3A_294 = arith.constant 0 : i32
      %add3A_295 = arith.addi %mul3A_293, %add3A_294 : i32
      %mul3A_296 = arith.constant 16 : i32
      %mul3A_297 = arith.muli %add3A_295, %mul3A_296 : i32
      %add3A_298 = arith.constant 12288 : i32
      %add3A_299 = arith.addi %add3A_298, %mul3A_297 : i32
      %get3A = arith.index_cast %add3A_299 : i32 to index
      %get3A_300 = tpu.vector_load %arg7[%get3A] {strides = array<i32>} : memref<16384xi32, #tpu.memory_space<vmem>>, vector<16xi32>,
      %gather3A = tpu.vector_load_idx %arg6[%get3A_300] : memref<100000xf32, #tpu.memory_space<vmem>>[vector<16xi32>], vector<16xf32>,
      %get3A_301 = arith.constant 1 : i32
      %get3A_302 = arith.index_cast %get3A_301 : i32 to index
      %get3A_303 = arith.index_cast %mul3A_297 : i32 to index
      %get3A_304 = tpu.vector_load %arg8[%get3A_302, %get3A_303] {strides = array<i32>} : memref<2x4096xf32, #tpu.memory_space<vmem>>, vector<16xf32>,
      %sub3A = arith.subf %get3A_304, %gather3A : vector<16xf32>
      %mul3A_305 = arith.mulf %sub3A, %sub3A : vector<16xf32>
      %add3A_306 = arith.addf %scan3A_288, %mul3A_305 : vector<16xf32>
      %mul3A_307 = arith.constant 8 : i32
      %mul3A_308 = arith.muli %scan3A_287, %mul3A_307 : i32
      %add3A_309 = arith.constant 1 : i32
      %add3A_310 = arith.addi %mul3A_308, %add3A_309 : i32
      %mul3A_311 = arith.constant 16 : i32
      %mul3A_312 = arith.muli %add3A_310, %mul3A_311 : i32
      %add3A_313 = arith.constant 12288 : i32
      %add3A_314 = arith.addi %add3A_313, %mul3A_312 : i32
      %get3A_315 = arith.index_cast %add3A_314 : i32 to index
      %get3A_316 = tpu.vector_load %arg7[%get3A_315] {strides = array<i32>} : memref<16384xi32, #tpu.memory_space<vmem>>, vector<16xi32>,
      %gather3A_317 = tpu.vector_load_idx %arg6[%get3A_316] : memref<100000xf32, #tpu.memory_space<vmem>>[vector<16xi32>], vector<16xf32>,
      %get3A_318 = arith.constant 1 : i32
      %get3A_319 = arith.index_cast %get3A_318 : i32 to index
      %get3A_320 = arith.index_cast %mul3A_312 : i32 to index
      %get3A_321 = tpu.vector_load %arg8[%get3A_319, %get3A_320] {strides = array<i32>} : memref<2x4096xf32, #tpu.memory_space<vmem>>, vector<16xf32>,
      %sub3A_322 = arith.subf %get3A_321, %gather3A_317 : vector<16xf32>
      %mul3A_323 = arith.mulf %sub3A_322, %sub3A_322 : vector<16xf32>
      %add3A_324 = arith.addf %scan3A_289, %mul3A_323 : vector<16xf32>
      %mul3A_325 = arith.constant 8 : i32
      %mul3A_326 = arith.muli %scan3A_287, %mul3A_325 : i32
      %add3A_327 = arith.constant 2 : i32
      %add3A_328 = arith.addi %mul3A_326, %add3A_327 : i32
      %mul3A_329 = arith.constant 16 : i32
      %mul3A_330 = arith.muli %add3A_328, %mul3A_329 : i32
      %add3A_331 = arith.constant 12288 : i32
      %add3A_332 = arith.addi %add3A_331, %mul3A_330 : i32
      %get3A_333 = arith.index_cast %add3A_332 : i32 to index
      %get3A_334 = tpu.vector_load %arg7[%get3A_333] {strides = array<i32>} : memref<16384xi32, #tpu.memory_space<vmem>>, vector<16xi32>,
      %gather3A_335 = tpu.vector_load_idx %arg6[%get3A_334] : memref<100000xf32, #tpu.memory_space<vmem>>[vector<16xi32>], vector<16xf32>,
      %get3A_336 = arith.constant 1 : i32
      %get3A_337 = arith.index_cast %get3A_336 : i32 to index
      %get3A_338 = arith.index_cast %mul3A_330 : i32 to index
      %get3A_339 = tpu.vector_load %arg8[%get3A_337, %get3A_338] {strides = array<i32>} : memref<2x4096xf32, #tpu.memory_space<vmem>>, vector<16xf32>,
      %sub3A_340 = arith.subf %get3A_339, %gather3A_335 : vector<16xf32>
      %mul3A_341 = arith.mulf %sub3A_340, %sub3A_340 : vector<16xf32>
      %add3A_342 = arith.addf %scan3A_290, %mul3A_341 : vector<16xf32>
      %mul3A_343 = arith.constant 8 : i32
      %mul3A_344 = arith.muli %scan3A_287, %mul3A_343 : i32
      %add3A_345 = arith.constant 3 : i32
      %add3A_346 = arith.addi %mul3A_344, %add3A_345 : i32
      %mul3A_347 = arith.constant 16 : i32
      %mul3A_348 = arith.muli %add3A_346, %mul3A_347 : i32
      %add3A_349 = arith.constant 12288 : i32
      %add3A_350 = arith.addi %add3A_349, %mul3A_348 : i32
      %get3A_351 = arith.index_cast %add3A_350 : i32 to index
      %get3A_352 = tpu.vector_load %arg7[%get3A_351] {strides = array<i32>} : memref<16384xi32, #tpu.memory_space<vmem>>, vector<16xi32>,
      %gather3A_353 = tpu.vector_load_idx %arg6[%get3A_352] : memref<100000xf32, #tpu.memory_space<vmem>>[vector<16xi32>], vector<16xf32>,
      %get3A_354 = arith.constant 1 : i32
      %get3A_355 = arith.index_cast %get3A_354 : i32 to index
      %get3A_356 = arith.index_cast %mul3A_348 : i32 to index
      %get3A_357 = tpu.vector_load %arg8[%get3A_355, %get3A_356] {strides = array<i32>} : memref<2x4096xf32, #tpu.memory_space<vmem>>, vector<16xf32>,
      %sub3A_358 = arith.subf %get3A_357, %gather3A_353 : vector<16xf32>
      %mul3A_359 = arith.mulf %sub3A_358, %sub3A_358 : vector<16xf32>
      %add3A_360 = arith.addf %scan3A_291, %mul3A_359 : vector<16xf32>
      %mul3A_361 = arith.constant 8 : i32
      %mul3A_362 = arith.muli %scan3A_287, %mul3A_361 : i32
      %add3A_363 = arith.constant 4 : i32
      %add3A_364 = arith.addi %mul3A_362, %add3A_363 : i32
      %mul3A_365 = arith.constant 16 : i32
      %mul3A_366 = arith.muli %add3A_364, %mul3A_365 : i32
      %add3A_367 = arith.constant 12288 : i32
      %add3A_368 = arith.addi %add3A_367, %mul3A_366 : i32
      %get3A_369 = arith.index_cast %add3A_368 : i32 to index
      %get3A_370 = tpu.vector_load %arg7[%get3A_369] {strides = array<i32>} : memref<16384xi32, #tpu.memory_space<vmem>>, vector<16xi32>,
      %gather3A_371 = tpu.vector_load_idx %arg6[%get3A_370] : memref<100000xf32, #tpu.memory_space<vmem>>[vector<16xi32>], vector<16xf32>,
      %get3A_372 = arith.constant 1 : i32
      %get3A_373 = arith.index_cast %get3A_372 : i32 to index
      %get3A_374 = arith.index_cast %mul3A_366 : i32 to index
      %get3A_375 = tpu.vector_load %arg8[%get3A_373, %get3A_374] {strides = array<i32>} : memref<2x4096xf32, #tpu.memory_space<vmem>>, vector<16xf32>,
      %sub3A_376 = arith.subf %get3A_375, %gather3A_371 : vector<16xf32>
      %mul3A_377 = arith.mulf %sub3A_376, %sub3A_376 : vector<16xf32>
      %add3A_378 = arith.addf %add3A_306, %mul3A_377 : vector<16xf32>
      %mul3A_379 = arith.constant 8 : i32
      %mul3A_380 = arith.muli %scan3A_287, %mul3A_379 : i32
      %add3A_381 = arith.constant 5 : i32
      %add3A_382 = arith.addi %mul3A_380, %add3A_381 : i32
      %mul3A_383 = arith.constant 16 : i32
      %mul3A_384 = arith.muli %add3A_382, %mul3A_383 : i32
      %add3A_385 = arith.constant 12288 : i32
      %add3A_386 = arith.addi %add3A_385, %mul3A_384 : i32
      %get3A_387 = arith.index_cast %add3A_386 : i32 to index
      %get3A_388 = tpu.vector_load %arg7[%get3A_387] {strides = array<i32>} : memref<16384xi32, #tpu.memory_space<vmem>>, vector<16xi32>,
      %gather3A_389 = tpu.vector_load_idx %arg6[%get3A_388] : memref<100000xf32, #tpu.memory_space<vmem>>[vector<16xi32>], vector<16xf32>,
      %get3A_390 = arith.constant 1 : i32
      %get3A_391 = arith.index_cast %get3A_390 : i32 to index
      %get3A_392 = arith.index_cast %mul3A_384 : i32 to index
      %get3A_393 = tpu.vector_load %arg8[%get3A_391, %get3A_392] {strides = array<i32>} : memref<2x4096xf32, #tpu.memory_space<vmem>>, vector<16xf32>,
      %sub3A_394 = arith.subf %get3A_393, %gather3A_389 : vector<16xf32>
      %mul3A_395 = arith.mulf %sub3A_394, %sub3A_394 : vector<16xf32>
      %add3A_396 = arith.addf %add3A_324, %mul3A_395 : vector<16xf32>
      %mul3A_397 = arith.constant 8 : i32
      %mul3A_398 = arith.muli %scan3A_287, %mul3A_397 : i32
      %add3A_399 = arith.constant 6 : i32
      %add3A_400 = arith.addi %mul3A_398, %add3A_399 : i32
      %mul3A_401 = arith.constant 16 : i32
      %mul3A_402 = arith.muli %add3A_400, %mul3A_401 : i32
      %add3A_403 = arith.constant 12288 : i32
      %add3A_404 = arith.addi %add3A_403, %mul3A_402 : i32
      %get3A_405 = arith.index_cast %add3A_404 : i32 to index
      %get3A_406 = tpu.vector_load %arg7[%get3A_405] {strides = array<i32>} : memref<16384xi32, #tpu.memory_space<vmem>>, vector<16xi32>,
      %gather3A_407 = tpu.vector_load_idx %arg6[%get3A_406] : memref<100000xf32, #tpu.memory_space<vmem>>[vector<16xi32>], vector<16xf32>,
      %get3A_408 = arith.constant 1 : i32
      %get3A_409 = arith.index_cast %get3A_408 : i32 to index
      %get3A_410 = arith.index_cast %mul3A_402 : i32 to index
      %get3A_411 = tpu.vector_load %arg8[%get3A_409, %get3A_410] {strides = array<i32>} : memref<2x4096xf32, #tpu.memory_space<vmem>>, vector<16xf32>,
      %sub3A_412 = arith.subf %get3A_411, %gather3A_407 : vector<16xf32>
      %mul3A_413 = arith.mulf %sub3A_412, %sub3A_412 : vector<16xf32>
      %add3A_414 = arith.addf %add3A_342, %mul3A_413 : vector<16xf32>
      %mul3A_415 = arith.constant 8 : i32
      %mul3A_416 = arith.muli %scan3A_287, %mul3A_415 : i32
      %add3A_417 = arith.constant 7 : i32
      %add3A_418 = arith.addi %mul3A_416, %add3A_417 : i32
      %mul3A_419 = arith.constant 16 : i32
      %mul3A_420 = arith.muli %add3A_418, %mul3A_419 : i32
      %add3A_421 = arith.constant 12288 : i32
      %add3A_422 = arith.addi %add3A_421, %mul3A_420 : i32
      %get3A_423 = arith.index_cast %add3A_422 : i32 to index
      %get3A_424 = tpu.vector_load %arg7[%get3A_423] {strides = array<i32>} : memref<16384xi32, #tpu.memory_space<vmem>>, vector<16xi32>,
      %gather3A_425 = tpu.vector_load_idx %arg6[%get3A_424] : memref<100000xf32, #tpu.memory_space<vmem>>[vector<16xi32>], vector<16xf32>,
      %get3A_426 = arith.constant 1 : i32
      %get3A_427 = arith.index_cast %get3A_426 : i32 to index
      %get3A_428 = arith.index_cast %mul3A_420 : i32 to index
      %get3A_429 = tpu.vector_load %arg8[%get3A_427, %get3A_428] {strides = array<i32>} : memref<2x4096xf32, #tpu.memory_space<vmem>>, vector<16xf32>,
      %sub3A_430 = arith.subf %get3A_429, %gather3A_425 : vector<16xf32>
      %mul3A_431 = arith.mulf %sub3A_430, %sub3A_430 : vector<16xf32>
      %add3A_432 = arith.addf %add3A_360, %mul3A_431 : vector<16xf32>
      scf.yield %add3A_378, %add3A_396, %add3A_414, %add3A_432 : vector<16xf32>, vector<16xf32>, vector<16xf32>, vector<16xf32>
    }
    %scan3A_140 = arith.constant 32 : i32
    %add3A_141 = arith.constant 32 : i32
    %add3A_142 = arith.addi %add3A, %add3A_141 : i32
    %dma_start3A_143 = arith.constant 0 : i32
    %dma_start3A_144 = tpu.memref_slice %arg4[%add3A_142, %dma_start3A_143] : memref<64x100000xf32, #tpu.memory_space<hbm>> -> memref<1x100000xf32, #tpu.memory_space<hbm>>
    %dma_start3A_145 = tpu.memref_squeeze %dma_start3A_144 : memref<1x100000xf32, #tpu.memory_space<hbm>> -> memref<100000xf32, #tpu.memory_space<hbm>>
    %dma_start3A_146 = arith.constant 0 : i32
    %dma_start3A_147 = tpu.memref_slice %arg4[%add3A_142, %dma_start3A_146] : memref<64x100000xf32, #tpu.memory_space<hbm>> -> memref<1x100000xf32, #tpu.memory_space<hbm>>
    %dma_start3A_148 = tpu.memref_squeeze %dma_start3A_147 : memref<1x100000xf32, #tpu.memory_space<hbm>> -> memref<100000xf32, #tpu.memory_space<hbm>>
    tpu.enqueue_dma source(%dma_start3A_148 : memref<100000xf32, #tpu.memory_space<hbm>>) target(%arg6 : memref<100000xf32, #tpu.memory_space<vmem>>) target_semaphore(%arg10 : memref<!tpu.dma_semaphore, #tpu.memory_space<semaphore_mem>>)
    %dma_start3A_149 = arith.constant 0 : i32
    %dma_start3A_150 = arith.constant 0 : i32
    %dma_start3A_151 = tpu.memref_slice %arg8[%dma_start3A_149, %dma_start3A_150] : memref<2x4096xf32, #tpu.memory_space<vmem>> -> memref<1x4096xf32, #tpu.memory_space<vmem>>
    %dma_start3A_152 = tpu.memref_squeeze %dma_start3A_151 : memref<1x4096xf32, #tpu.memory_space<vmem>> -> memref<4096xf32, #tpu.memory_space<vmem>>
    %dma_start3A_153 = arith.constant 0 : i32
    %dma_start3A_154 = tpu.memref_slice %arg2[%add3A_142, %dma_start3A_153] : memref<64x16384xf32, #tpu.memory_space<hbm>> -> memref<1x4096xf32, #tpu.memory_space<hbm>>
    %dma_start3A_155 = tpu.memref_squeeze %dma_start3A_154 : memref<1x4096xf32, #tpu.memory_space<hbm>> -> memref<4096xf32, #tpu.memory_space<hbm>>
    %dma_start3A_156 = arith.constant 0 : i32
    %dma_start3A_157 = tpu.memref_slice %arg8[%dma_start3A_149, %dma_start3A_156] : memref<2x4096xf32, #tpu.memory_space<vmem>> -> memref<1x4096xf32, #tpu.memory_space<vmem>>
    %dma_start3A_158 = tpu.memref_squeeze %dma_start3A_157 : memref<1x4096xf32, #tpu.memory_space<vmem>> -> memref<4096xf32, #tpu.memory_space<vmem>>
    %dma_start3A_159 = arith.constant 0 : i32
    %dma_start3A_160 = tpu.memref_slice %arg2[%add3A_142, %dma_start3A_159] : memref<64x16384xf32, #tpu.memory_space<hbm>> -> memref<1x4096xf32, #tpu.memory_space<hbm>>
    %dma_start3A_161 = tpu.memref_squeeze %dma_start3A_160 : memref<1x4096xf32, #tpu.memory_space<hbm>> -> memref<4096xf32, #tpu.memory_space<hbm>>
    tpu.enqueue_dma source(%dma_start3A_161 : memref<4096xf32, #tpu.memory_space<hbm>>) target(%dma_start3A_158 : memref<4096xf32, #tpu.memory_space<vmem>>) target_semaphore(%arg11 : memref<!tpu.dma_semaphore, #tpu.memory_space<semaphore_mem>>)
    %dma_wait3A_162 = arith.constant 0 : i32
    %dma_wait3A_163 = tpu.memref_slice %arg4[%add3A_142, %dma_wait3A_162] : memref<64x100000xf32, #tpu.memory_space<hbm>> -> memref<1x100000xf32, #tpu.memory_space<hbm>>
    %dma_wait3A_164 = tpu.memref_squeeze %dma_wait3A_163 : memref<1x100000xf32, #tpu.memory_space<hbm>> -> memref<100000xf32, #tpu.memory_space<hbm>>
    %dma_wait3A_165 = arith.constant 0 : i32
    %dma_wait3A_166 = tpu.memref_slice %arg4[%add3A_142, %dma_wait3A_165] : memref<64x100000xf32, #tpu.memory_space<hbm>> -> memref<1x100000xf32, #tpu.memory_space<hbm>>
    %dma_wait3A_167 = tpu.memref_squeeze %dma_wait3A_166 : memref<1x100000xf32, #tpu.memory_space<hbm>> -> memref<100000xf32, #tpu.memory_space<hbm>>
    tpu.wait_dma2 semaphore(%arg10 : memref<!tpu.dma_semaphore, #tpu.memory_space<semaphore_mem>>) src(%dma_wait3A_167 : memref<100000xf32, #tpu.memory_space<hbm>>) dst(%arg6 : memref<100000xf32, #tpu.memory_space<vmem>>)
    %dma_start3A_168 = arith.constant 1 : i32
    %dma_start3A_169 = arith.constant 0 : i32
    %dma_start3A_170 = tpu.memref_slice %arg8[%dma_start3A_168, %dma_start3A_169] : memref<2x4096xf32, #tpu.memory_space<vmem>> -> memref<1x4096xf32, #tpu.memory_space<vmem>>
    %dma_start3A_171 = tpu.memref_squeeze %dma_start3A_170 : memref<1x4096xf32, #tpu.memory_space<vmem>> -> memref<4096xf32, #tpu.memory_space<vmem>>
    %dma_start3A_172 = arith.constant 4096 : i32
    %dma_start3A_173 = tpu.memref_slice %arg2[%add3A_142, %dma_start3A_172] : memref<64x16384xf32, #tpu.memory_space<hbm>> -> memref<1x4096xf32, #tpu.memory_space<hbm>>
    %dma_start3A_174 = tpu.memref_squeeze %dma_start3A_173 : memref<1x4096xf32, #tpu.memory_space<hbm>> -> memref<4096xf32, #tpu.memory_space<hbm>>
    %dma_start3A_175 = arith.constant 0 : i32
    %dma_start3A_176 = tpu.memref_slice %arg8[%dma_start3A_168, %dma_start3A_175] : memref<2x4096xf32, #tpu.memory_space<vmem>> -> memref<1x4096xf32, #tpu.memory_space<vmem>>
    %dma_start3A_177 = tpu.memref_squeeze %dma_start3A_176 : memref<1x4096xf32, #tpu.memory_space<vmem>> -> memref<4096xf32, #tpu.memory_space<vmem>>
    %dma_start3A_178 = arith.constant 4096 : i32
    %dma_start3A_179 = tpu.memref_slice %arg2[%add3A_142, %dma_start3A_178] : memref<64x16384xf32, #tpu.memory_space<hbm>> -> memref<1x4096xf32, #tpu.memory_space<hbm>>
    %dma_start3A_180 = tpu.memref_squeeze %dma_start3A_179 : memref<1x4096xf32, #tpu.memory_space<hbm>> -> memref<4096xf32, #tpu.memory_space<hbm>>
    tpu.enqueue_dma source(%dma_start3A_180 : memref<4096xf32, #tpu.memory_space<hbm>>) target(%dma_start3A_177 : memref<4096xf32, #tpu.memory_space<vmem>>) target_semaphore(%arg12 : memref<!tpu.dma_semaphore, #tpu.memory_space<semaphore_mem>>)
    %dma_wait3A_181 = arith.constant 0 : i32
    %dma_wait3A_182 = arith.constant 0 : i32
    %dma_wait3A_183 = tpu.memref_slice %arg8[%dma_wait3A_181, %dma_wait3A_182] : memref<2x4096xf32, #tpu.memory_space<vmem>> -> memref<1x4096xf32, #tpu.memory_space<vmem>>
    %dma_wait3A_184 = tpu.memref_squeeze %dma_wait3A_183 : memref<1x4096xf32, #tpu.memory_space<vmem>> -> memref<4096xf32, #tpu.memory_space<vmem>>
    %dma_wait3A_185 = arith.constant 0 : i32
    %dma_wait3A_186 = tpu.memref_slice %arg2[%add3A_142, %dma_wait3A_185] : memref<64x16384xf32, #tpu.memory_space<hbm>> -> memref<1x4096xf32, #tpu.memory_space<hbm>>
    %dma_wait3A_187 = tpu.memref_squeeze %dma_wait3A_186 : memref<1x4096xf32, #tpu.memory_space<hbm>> -> memref<4096xf32, #tpu.memory_space<hbm>>
    %dma_wait3A_188 = arith.constant 0 : i32
    %dma_wait3A_189 = tpu.memref_slice %arg8[%dma_wait3A_181, %dma_wait3A_188] : memref<2x4096xf32, #tpu.memory_space<vmem>> -> memref<1x4096xf32, #tpu.memory_space<vmem>>
    %dma_wait3A_190 = tpu.memref_squeeze %dma_wait3A_189 : memref<1x4096xf32, #tpu.memory_space<vmem>> -> memref<4096xf32, #tpu.memory_space<vmem>>
    %dma_wait3A_191 = arith.constant 0 : i32
    %dma_wait3A_192 = tpu.memref_slice %arg2[%add3A_142, %dma_wait3A_191] : memref<64x16384xf32, #tpu.memory_space<hbm>> -> memref<1x4096xf32, #tpu.memory_space<hbm>>
    %dma_wait3A_193 = tpu.memref_squeeze %dma_wait3A_192 : memref<1x4096xf32, #tpu.memory_space<hbm>> -> memref<4096xf32, #tpu.memory_space<hbm>>
    tpu.wait_dma2 semaphore(%arg11 : memref<!tpu.dma_semaphore, #tpu.memory_space<semaphore_mem>>) src(%dma_wait3A_193 : memref<4096xf32, #tpu.memory_space<hbm>>) dst(%dma_wait3A_190 : memref<4096xf32, #tpu.memory_space<vmem>>)
    %scan3A_194 = arith.constant 0 : i32
    %scan3A_195 = arith.constant 32 : i32
    %scan3A_196 = arith.addi %scan3A_194, %scan3A_195 : i32
    %scan3A_197 = arith.constant 1 : i32
    %scan3A_198:4 = scf.for %scan3A_287 = %scan3A_194 to %scan3A_196 step %scan3A_197 iter_args(%scan3A_288 = %scan3A_139#0, %scan3A_289 = %scan3A_139#1, %scan3A_290 = %scan3A_139#2, %scan3A_291 = %scan3A_139#3) -> (vector<16xf32>, vector<16xf32>, vector<16xf32>, vector<16xf32>)  : i32 {
      %mul3A_292 = arith.constant 8 : i32
      %mul3A_293 = arith.muli %scan3A_287, %mul3A_292 : i32
      %add3A_294 = arith.constant 0 : i32
      %add3A_295 = arith.addi %mul3A_293, %add3A_294 : i32
      %mul3A_296 = arith.constant 16 : i32
      %mul3A_297 = arith.muli %add3A_295, %mul3A_296 : i32
      %add3A_298 = arith.constant 0 : i32
      %add3A_299 = arith.addi %add3A_298, %mul3A_297 : i32
      %get3A = arith.index_cast %add3A_299 : i32 to index
      %get3A_300 = tpu.vector_load %arg7[%get3A] {strides = array<i32>} : memref<16384xi32, #tpu.memory_space<vmem>>, vector<16xi32>,
      %gather3A = tpu.vector_load_idx %arg6[%get3A_300] : memref<100000xf32, #tpu.memory_space<vmem>>[vector<16xi32>], vector<16xf32>,
      %get3A_301 = arith.constant 0 : i32
      %get3A_302 = arith.index_cast %get3A_301 : i32 to index
      %get3A_303 = arith.index_cast %mul3A_297 : i32 to index
      %get3A_304 = tpu.vector_load %arg8[%get3A_302, %get3A_303] {strides = array<i32>} : memref<2x4096xf32, #tpu.memory_space<vmem>>, vector<16xf32>,
      %sub3A = arith.subf %get3A_304, %gather3A : vector<16xf32>
      %mul3A_305 = arith.mulf %sub3A, %sub3A : vector<16xf32>
      %add3A_306 = arith.addf %scan3A_288, %mul3A_305 : vector<16xf32>
      %mul3A_307 = arith.constant 8 : i32
      %mul3A_308 = arith.muli %scan3A_287, %mul3A_307 : i32
      %add3A_309 = arith.constant 1 : i32
      %add3A_310 = arith.addi %mul3A_308, %add3A_309 : i32
      %mul3A_311 = arith.constant 16 : i32
      %mul3A_312 = arith.muli %add3A_310, %mul3A_311 : i32
      %add3A_313 = arith.constant 0 : i32
      %add3A_314 = arith.addi %add3A_313, %mul3A_312 : i32
      %get3A_315 = arith.index_cast %add3A_314 : i32 to index
      %get3A_316 = tpu.vector_load %arg7[%get3A_315] {strides = array<i32>} : memref<16384xi32, #tpu.memory_space<vmem>>, vector<16xi32>,
      %gather3A_317 = tpu.vector_load_idx %arg6[%get3A_316] : memref<100000xf32, #tpu.memory_space<vmem>>[vector<16xi32>], vector<16xf32>,
      %get3A_318 = arith.constant 0 : i32
      %get3A_319 = arith.index_cast %get3A_318 : i32 to index
      %get3A_320 = arith.index_cast %mul3A_312 : i32 to index
      %get3A_321 = tpu.vector_load %arg8[%get3A_319, %get3A_320] {strides = array<i32>} : memref<2x4096xf32, #tpu.memory_space<vmem>>, vector<16xf32>,
      %sub3A_322 = arith.subf %get3A_321, %gather3A_317 : vector<16xf32>
      %mul3A_323 = arith.mulf %sub3A_322, %sub3A_322 : vector<16xf32>
      %add3A_324 = arith.addf %scan3A_289, %mul3A_323 : vector<16xf32>
      %mul3A_325 = arith.constant 8 : i32
      %mul3A_326 = arith.muli %scan3A_287, %mul3A_325 : i32
      %add3A_327 = arith.constant 2 : i32
      %add3A_328 = arith.addi %mul3A_326, %add3A_327 : i32
      %mul3A_329 = arith.constant 16 : i32
      %mul3A_330 = arith.muli %add3A_328, %mul3A_329 : i32
      %add3A_331 = arith.constant 0 : i32
      %add3A_332 = arith.addi %add3A_331, %mul3A_330 : i32
      %get3A_333 = arith.index_cast %add3A_332 : i32 to index
      %get3A_334 = tpu.vector_load %arg7[%get3A_333] {strides = array<i32>} : memref<16384xi32, #tpu.memory_space<vmem>>, vector<16xi32>,
      %gather3A_335 = tpu.vector_load_idx %arg6[%get3A_334] : memref<100000xf32, #tpu.memory_space<vmem>>[vector<16xi32>], vector<16xf32>,
      %get3A_336 = arith.constant 0 : i32
      %get3A_337 = arith.index_cast %get3A_336 : i32 to index
      %get3A_338 = arith.index_cast %mul3A_330 : i32 to index
      %get3A_339 = tpu.vector_load %arg8[%get3A_337, %get3A_338] {strides = array<i32>} : memref<2x4096xf32, #tpu.memory_space<vmem>>, vector<16xf32>,
      %sub3A_340 = arith.subf %get3A_339, %gather3A_335 : vector<16xf32>
      %mul3A_341 = arith.mulf %sub3A_340, %sub3A_340 : vector<16xf32>
      %add3A_342 = arith.addf %scan3A_290, %mul3A_341 : vector<16xf32>
      %mul3A_343 = arith.constant 8 : i32
      %mul3A_344 = arith.muli %scan3A_287, %mul3A_343 : i32
      %add3A_345 = arith.constant 3 : i32
      %add3A_346 = arith.addi %mul3A_344, %add3A_345 : i32
      %mul3A_347 = arith.constant 16 : i32
      %mul3A_348 = arith.muli %add3A_346, %mul3A_347 : i32
      %add3A_349 = arith.constant 0 : i32
      %add3A_350 = arith.addi %add3A_349, %mul3A_348 : i32
      %get3A_351 = arith.index_cast %add3A_350 : i32 to index
      %get3A_352 = tpu.vector_load %arg7[%get3A_351] {strides = array<i32>} : memref<16384xi32, #tpu.memory_space<vmem>>, vector<16xi32>,
      %gather3A_353 = tpu.vector_load_idx %arg6[%get3A_352] : memref<100000xf32, #tpu.memory_space<vmem>>[vector<16xi32>], vector<16xf32>,
      %get3A_354 = arith.constant 0 : i32
      %get3A_355 = arith.index_cast %get3A_354 : i32 to index
      %get3A_356 = arith.index_cast %mul3A_348 : i32 to index
      %get3A_357 = tpu.vector_load %arg8[%get3A_355, %get3A_356] {strides = array<i32>} : memref<2x4096xf32, #tpu.memory_space<vmem>>, vector<16xf32>,
      %sub3A_358 = arith.subf %get3A_357, %gather3A_353 : vector<16xf32>
      %mul3A_359 = arith.mulf %sub3A_358, %sub3A_358 : vector<16xf32>
      %add3A_360 = arith.addf %scan3A_291, %mul3A_359 : vector<16xf32>
      %mul3A_361 = arith.constant 8 : i32
      %mul3A_362 = arith.muli %scan3A_287, %mul3A_361 : i32
      %add3A_363 = arith.constant 4 : i32
      %add3A_364 = arith.addi %mul3A_362, %add3A_363 : i32
      %mul3A_365 = arith.constant 16 : i32
      %mul3A_366 = arith.muli %add3A_364, %mul3A_365 : i32
      %add3A_367 = arith.constant 0 : i32
      %add3A_368 = arith.addi %add3A_367, %mul3A_366 : i32
      %get3A_369 = arith.index_cast %add3A_368 : i32 to index
      %get3A_370 = tpu.vector_load %arg7[%get3A_369] {strides = array<i32>} : memref<16384xi32, #tpu.memory_space<vmem>>, vector<16xi32>,
      %gather3A_371 = tpu.vector_load_idx %arg6[%get3A_370] : memref<100000xf32, #tpu.memory_space<vmem>>[vector<16xi32>], vector<16xf32>,
      %get3A_372 = arith.constant 0 : i32
      %get3A_373 = arith.index_cast %get3A_372 : i32 to index
      %get3A_374 = arith.index_cast %mul3A_366 : i32 to index
      %get3A_375 = tpu.vector_load %arg8[%get3A_373, %get3A_374] {strides = array<i32>} : memref<2x4096xf32, #tpu.memory_space<vmem>>, vector<16xf32>,
      %sub3A_376 = arith.subf %get3A_375, %gather3A_371 : vector<16xf32>
      %mul3A_377 = arith.mulf %sub3A_376, %sub3A_376 : vector<16xf32>
      %add3A_378 = arith.addf %add3A_306, %mul3A_377 : vector<16xf32>
      %mul3A_379 = arith.constant 8 : i32
      %mul3A_380 = arith.muli %scan3A_287, %mul3A_379 : i32
      %add3A_381 = arith.constant 5 : i32
      %add3A_382 = arith.addi %mul3A_380, %add3A_381 : i32
      %mul3A_383 = arith.constant 16 : i32
      %mul3A_384 = arith.muli %add3A_382, %mul3A_383 : i32
      %add3A_385 = arith.constant 0 : i32
      %add3A_386 = arith.addi %add3A_385, %mul3A_384 : i32
      %get3A_387 = arith.index_cast %add3A_386 : i32 to index
      %get3A_388 = tpu.vector_load %arg7[%get3A_387] {strides = array<i32>} : memref<16384xi32, #tpu.memory_space<vmem>>, vector<16xi32>,
      %gather3A_389 = tpu.vector_load_idx %arg6[%get3A_388] : memref<100000xf32, #tpu.memory_space<vmem>>[vector<16xi32>], vector<16xf32>,
      %get3A_390 = arith.constant 0 : i32
      %get3A_391 = arith.index_cast %get3A_390 : i32 to index
      %get3A_392 = arith.index_cast %mul3A_384 : i32 to index
      %get3A_393 = tpu.vector_load %arg8[%get3A_391, %get3A_392] {strides = array<i32>} : memref<2x4096xf32, #tpu.memory_space<vmem>>, vector<16xf32>,
      %sub3A_394 = arith.subf %get3A_393, %gather3A_389 : vector<16xf32>
      %mul3A_395 = arith.mulf %sub3A_394, %sub3A_394 : vector<16xf32>
      %add3A_396 = arith.addf %add3A_324, %mul3A_395 : vector<16xf32>
      %mul3A_397 = arith.constant 8 : i32
      %mul3A_398 = arith.muli %scan3A_287, %mul3A_397 : i32
      %add3A_399 = arith.constant 6 : i32
      %add3A_400 = arith.addi %mul3A_398, %add3A_399 : i32
      %mul3A_401 = arith.constant 16 : i32
      %mul3A_402 = arith.muli %add3A_400, %mul3A_401 : i32
      %add3A_403 = arith.constant 0 : i32
      %add3A_404 = arith.addi %add3A_403, %mul3A_402 : i32
      %get3A_405 = arith.index_cast %add3A_404 : i32 to index
      %get3A_406 = tpu.vector_load %arg7[%get3A_405] {strides = array<i32>} : memref<16384xi32, #tpu.memory_space<vmem>>, vector<16xi32>,
      %gather3A_407 = tpu.vector_load_idx %arg6[%get3A_406] : memref<100000xf32, #tpu.memory_space<vmem>>[vector<16xi32>], vector<16xf32>,
      %get3A_408 = arith.constant 0 : i32
      %get3A_409 = arith.index_cast %get3A_408 : i32 to index
      %get3A_410 = arith.index_cast %mul3A_402 : i32 to index
      %get3A_411 = tpu.vector_load %arg8[%get3A_409, %get3A_410] {strides = array<i32>} : memref<2x4096xf32, #tpu.memory_space<vmem>>, vector<16xf32>,
      %sub3A_412 = arith.subf %get3A_411, %gather3A_407 : vector<16xf32>
      %mul3A_413 = arith.mulf %sub3A_412, %sub3A_412 : vector<16xf32>
      %add3A_414 = arith.addf %add3A_342, %mul3A_413 : vector<16xf32>
      %mul3A_415 = arith.constant 8 : i32
      %mul3A_416 = arith.muli %scan3A_287, %mul3A_415 : i32
      %add3A_417 = arith.constant 7 : i32
      %add3A_418 = arith.addi %mul3A_416, %add3A_417 : i32
      %mul3A_419 = arith.constant 16 : i32
      %mul3A_420 = arith.muli %add3A_418, %mul3A_419 : i32
      %add3A_421 = arith.constant 0 : i32
      %add3A_422 = arith.addi %add3A_421, %mul3A_420 : i32
      %get3A_423 = arith.index_cast %add3A_422 : i32 to index
      %get3A_424 = tpu.vector_load %arg7[%get3A_423] {strides = array<i32>} : memref<16384xi32, #tpu.memory_space<vmem>>, vector<16xi32>,
      %gather3A_425 = tpu.vector_load_idx %arg6[%get3A_424] : memref<100000xf32, #tpu.memory_space<vmem>>[vector<16xi32>], vector<16xf32>,
      %get3A_426 = arith.constant 0 : i32
      %get3A_427 = arith.index_cast %get3A_426 : i32 to index
      %get3A_428 = arith.index_cast %mul3A_420 : i32 to index
      %get3A_429 = tpu.vector_load %arg8[%get3A_427, %get3A_428] {strides = array<i32>} : memref<2x4096xf32, #tpu.memory_space<vmem>>, vector<16xf32>,
      %sub3A_430 = arith.subf %get3A_429, %gather3A_425 : vector<16xf32>
      %mul3A_431 = arith.mulf %sub3A_430, %sub3A_430 : vector<16xf32>
      %add3A_432 = arith.addf %add3A_360, %mul3A_431 : vector<16xf32>
      scf.yield %add3A_378, %add3A_396, %add3A_414, %add3A_432 : vector<16xf32>, vector<16xf32>, vector<16xf32>, vector<16xf32>
    }
    %scan3A_199 = arith.constant 32 : i32
    %dma_start3A_200 = arith.constant 0 : i32
    %dma_start3A_201 = arith.constant 0 : i32
    %dma_start3A_202 = tpu.memref_slice %arg8[%dma_start3A_200, %dma_start3A_201] : memref<2x4096xf32, #tpu.memory_space<vmem>> -> memref<1x4096xf32, #tpu.memory_space<vmem>>
    %dma_start3A_203 = tpu.memref_squeeze %dma_start3A_202 : memref<1x4096xf32, #tpu.memory_space<vmem>> -> memref<4096xf32, #tpu.memory_space<vmem>>
    %dma_start3A_204 = arith.constant 8192 : i32
    %dma_start3A_205 = tpu.memref_slice %arg2[%add3A_142, %dma_start3A_204] : memref<64x16384xf32, #tpu.memory_space<hbm>> -> memref<1x4096xf32, #tpu.memory_space<hbm>>
    %dma_start3A_206 = tpu.memref_squeeze %dma_start3A_205 : memref<1x4096xf32, #tpu.memory_space<hbm>> -> memref<4096xf32, #tpu.memory_space<hbm>>
    %dma_start3A_207 = arith.constant 0 : i32
    %dma_start3A_208 = tpu.memref_slice %arg8[%dma_start3A_200, %dma_start3A_207] : memref<2x4096xf32, #tpu.memory_space<vmem>> -> memref<1x4096xf32, #tpu.memory_space<vmem>>
    %dma_start3A_209 = tpu.memref_squeeze %dma_start3A_208 : memref<1x4096xf32, #tpu.memory_space<vmem>> -> memref<4096xf32, #tpu.memory_space<vmem>>
    %dma_start3A_210 = arith.constant 8192 : i32
    %dma_start3A_211 = tpu.memref_slice %arg2[%add3A_142, %dma_start3A_210] : memref<64x16384xf32, #tpu.memory_space<hbm>> -> memref<1x4096xf32, #tpu.memory_space<hbm>>
    %dma_start3A_212 = tpu.memref_squeeze %dma_start3A_211 : memref<1x4096xf32, #tpu.memory_space<hbm>> -> memref<4096xf32, #tpu.memory_space<hbm>>
    tpu.enqueue_dma source(%dma_start3A_212 : memref<4096xf32, #tpu.memory_space<hbm>>) target(%dma_start3A_209 : memref<4096xf32, #tpu.memory_space<vmem>>) target_semaphore(%arg11 : memref<!tpu.dma_semaphore, #tpu.memory_space<semaphore_mem>>)
    %dma_wait3A_213 = arith.constant 1 : i32
    %dma_wait3A_214 = arith.constant 0 : i32
    %dma_wait3A_215 = tpu.memref_slice %arg8[%dma_wait3A_213, %dma_wait3A_214] : memref<2x4096xf32, #tpu.memory_space<vmem>> -> memref<1x4096xf32, #tpu.memory_space<vmem>>
    %dma_wait3A_216 = tpu.memref_squeeze %dma_wait3A_215 : memref<1x4096xf32, #tpu.memory_space<vmem>> -> memref<4096xf32, #tpu.memory_space<vmem>>
    %dma_wait3A_217 = arith.constant 4096 : i32
    %dma_wait3A_218 = tpu.memref_slice %arg2[%add3A_142, %dma_wait3A_217] : memref<64x16384xf32, #tpu.memory_space<hbm>> -> memref<1x4096xf32, #tpu.memory_space<hbm>>
    %dma_wait3A_219 = tpu.memref_squeeze %dma_wait3A_218 : memref<1x4096xf32, #tpu.memory_space<hbm>> -> memref<4096xf32, #tpu.memory_space<hbm>>
    %dma_wait3A_220 = arith.constant 0 : i32
    %dma_wait3A_221 = tpu.memref_slice %arg8[%dma_wait3A_213, %dma_wait3A_220] : memref<2x4096xf32, #tpu.memory_space<vmem>> -> memref<1x4096xf32, #tpu.memory_space<vmem>>
    %dma_wait3A_222 = tpu.memref_squeeze %dma_wait3A_221 : memref<1x4096xf32, #tpu.memory_space<vmem>> -> memref<4096xf32, #tpu.memory_space<vmem>>
    %dma_wait3A_223 = arith.constant 4096 : i32
    %dma_wait3A_224 = tpu.memref_slice %arg2[%add3A_142, %dma_wait3A_223] : memref<64x16384xf32, #tpu.memory_space<hbm>> -> memref<1x4096xf32, #tpu.memory_space<hbm>>
    %dma_wait3A_225 = tpu.memref_squeeze %dma_wait3A_224 : memref<1x4096xf32, #tpu.memory_space<hbm>> -> memref<4096xf32, #tpu.memory_space<hbm>>
    tpu.wait_dma2 semaphore(%arg12 : memref<!tpu.dma_semaphore, #tpu.memory_space<semaphore_mem>>) src(%dma_wait3A_225 : memref<4096xf32, #tpu.memory_space<hbm>>) dst(%dma_wait3A_222 : memref<4096xf32, #tpu.memory_space<vmem>>)
    %scan3A_226 = arith.constant 0 : i32
    %scan3A_227 = arith.constant 32 : i32
    %scan3A_228 = arith.addi %scan3A_226, %scan3A_227 : i32
    %scan3A_229 = arith.constant 1 : i32
    %scan3A_230:4 = scf.for %scan3A_287 = %scan3A_226 to %scan3A_228 step %scan3A_229 iter_args(%scan3A_288 = %scan3A_198#0, %scan3A_289 = %scan3A_198#1, %scan3A_290 = %scan3A_198#2, %scan3A_291 = %scan3A_198#3) -> (vector<16xf32>, vector<16xf32>, vector<16xf32>, vector<16xf32>)  : i32 {
      %mul3A_292 = arith.constant 8 : i32
      %mul3A_293 = arith.muli %scan3A_287, %mul3A_292 : i32
      %add3A_294 = arith.constant 0 : i32
      %add3A_295 = arith.addi %mul3A_293, %add3A_294 : i32
      %mul3A_296 = arith.constant 16 : i32
      %mul3A_297 = arith.muli %add3A_295, %mul3A_296 : i32
      %add3A_298 = arith.constant 4096 : i32
      %add3A_299 = arith.addi %add3A_298, %mul3A_297 : i32
      %get3A = arith.index_cast %add3A_299 : i32 to index
      %get3A_300 = tpu.vector_load %arg7[%get3A] {strides = array<i32>} : memref<16384xi32, #tpu.memory_space<vmem>>, vector<16xi32>,
      %gather3A = tpu.vector_load_idx %arg6[%get3A_300] : memref<100000xf32, #tpu.memory_space<vmem>>[vector<16xi32>], vector<16xf32>,
      %get3A_301 = arith.constant 1 : i32
      %get3A_302 = arith.index_cast %get3A_301 : i32 to index
      %get3A_303 = arith.index_cast %mul3A_297 : i32 to index
      %get3A_304 = tpu.vector_load %arg8[%get3A_302, %get3A_303] {strides = array<i32>} : memref<2x4096xf32, #tpu.memory_space<vmem>>, vector<16xf32>,
      %sub3A = arith.subf %get3A_304, %gather3A : vector<16xf32>
      %mul3A_305 = arith.mulf %sub3A, %sub3A : vector<16xf32>
      %add3A_306 = arith.addf %scan3A_288, %mul3A_305 : vector<16xf32>
      %mul3A_307 = arith.constant 8 : i32
      %mul3A_308 = arith.muli %scan3A_287, %mul3A_307 : i32
      %add3A_309 = arith.constant 1 : i32
      %add3A_310 = arith.addi %mul3A_308, %add3A_309 : i32
      %mul3A_311 = arith.constant 16 : i32
      %mul3A_312 = arith.muli %add3A_310, %mul3A_311 : i32
      %add3A_313 = arith.constant 4096 : i32
      %add3A_314 = arith.addi %add3A_313, %mul3A_312 : i32
      %get3A_315 = arith.index_cast %add3A_314 : i32 to index
      %get3A_316 = tpu.vector_load %arg7[%get3A_315] {strides = array<i32>} : memref<16384xi32, #tpu.memory_space<vmem>>, vector<16xi32>,
      %gather3A_317 = tpu.vector_load_idx %arg6[%get3A_316] : memref<100000xf32, #tpu.memory_space<vmem>>[vector<16xi32>], vector<16xf32>,
      %get3A_318 = arith.constant 1 : i32
      %get3A_319 = arith.index_cast %get3A_318 : i32 to index
      %get3A_320 = arith.index_cast %mul3A_312 : i32 to index
      %get3A_321 = tpu.vector_load %arg8[%get3A_319, %get3A_320] {strides = array<i32>} : memref<2x4096xf32, #tpu.memory_space<vmem>>, vector<16xf32>,
      %sub3A_322 = arith.subf %get3A_321, %gather3A_317 : vector<16xf32>
      %mul3A_323 = arith.mulf %sub3A_322, %sub3A_322 : vector<16xf32>
      %add3A_324 = arith.addf %scan3A_289, %mul3A_323 : vector<16xf32>
      %mul3A_325 = arith.constant 8 : i32
      %mul3A_326 = arith.muli %scan3A_287, %mul3A_325 : i32
      %add3A_327 = arith.constant 2 : i32
      %add3A_328 = arith.addi %mul3A_326, %add3A_327 : i32
      %mul3A_329 = arith.constant 16 : i32
      %mul3A_330 = arith.muli %add3A_328, %mul3A_329 : i32
      %add3A_331 = arith.constant 4096 : i32
      %add3A_332 = arith.addi %add3A_331, %mul3A_330 : i32
      %get3A_333 = arith.index_cast %add3A_332 : i32 to index
      %get3A_334 = tpu.vector_load %arg7[%get3A_333] {strides = array<i32>} : memref<16384xi32, #tpu.memory_space<vmem>>, vector<16xi32>,
      %gather3A_335 = tpu.vector_load_idx %arg6[%get3A_334] : memref<100000xf32, #tpu.memory_space<vmem>>[vector<16xi32>], vector<16xf32>,
      %get3A_336 = arith.constant 1 : i32
      %get3A_337 = arith.index_cast %get3A_336 : i32 to index
      %get3A_338 = arith.index_cast %mul3A_330 : i32 to index
      %get3A_339 = tpu.vector_load %arg8[%get3A_337, %get3A_338] {strides = array<i32>} : memref<2x4096xf32, #tpu.memory_space<vmem>>, vector<16xf32>,
      %sub3A_340 = arith.subf %get3A_339, %gather3A_335 : vector<16xf32>
      %mul3A_341 = arith.mulf %sub3A_340, %sub3A_340 : vector<16xf32>
      %add3A_342 = arith.addf %scan3A_290, %mul3A_341 : vector<16xf32>
      %mul3A_343 = arith.constant 8 : i32
      %mul3A_344 = arith.muli %scan3A_287, %mul3A_343 : i32
      %add3A_345 = arith.constant 3 : i32
      %add3A_346 = arith.addi %mul3A_344, %add3A_345 : i32
      %mul3A_347 = arith.constant 16 : i32
      %mul3A_348 = arith.muli %add3A_346, %mul3A_347 : i32
      %add3A_349 = arith.constant 4096 : i32
      %add3A_350 = arith.addi %add3A_349, %mul3A_348 : i32
      %get3A_351 = arith.index_cast %add3A_350 : i32 to index
      %get3A_352 = tpu.vector_load %arg7[%get3A_351] {strides = array<i32>} : memref<16384xi32, #tpu.memory_space<vmem>>, vector<16xi32>,
      %gather3A_353 = tpu.vector_load_idx %arg6[%get3A_352] : memref<100000xf32, #tpu.memory_space<vmem>>[vector<16xi32>], vector<16xf32>,
      %get3A_354 = arith.constant 1 : i32
      %get3A_355 = arith.index_cast %get3A_354 : i32 to index
      %get3A_356 = arith.index_cast %mul3A_348 : i32 to index
      %get3A_357 = tpu.vector_load %arg8[%get3A_355, %get3A_356] {strides = array<i32>} : memref<2x4096xf32, #tpu.memory_space<vmem>>, vector<16xf32>,
      %sub3A_358 = arith.subf %get3A_357, %gather3A_353 : vector<16xf32>
      %mul3A_359 = arith.mulf %sub3A_358, %sub3A_358 : vector<16xf32>
      %add3A_360 = arith.addf %scan3A_291, %mul3A_359 : vector<16xf32>
      %mul3A_361 = arith.constant 8 : i32
      %mul3A_362 = arith.muli %scan3A_287, %mul3A_361 : i32
      %add3A_363 = arith.constant 4 : i32
      %add3A_364 = arith.addi %mul3A_362, %add3A_363 : i32
      %mul3A_365 = arith.constant 16 : i32
      %mul3A_366 = arith.muli %add3A_364, %mul3A_365 : i32
      %add3A_367 = arith.constant 4096 : i32
      %add3A_368 = arith.addi %add3A_367, %mul3A_366 : i32
      %get3A_369 = arith.index_cast %add3A_368 : i32 to index
      %get3A_370 = tpu.vector_load %arg7[%get3A_369] {strides = array<i32>} : memref<16384xi32, #tpu.memory_space<vmem>>, vector<16xi32>,
      %gather3A_371 = tpu.vector_load_idx %arg6[%get3A_370] : memref<100000xf32, #tpu.memory_space<vmem>>[vector<16xi32>], vector<16xf32>,
      %get3A_372 = arith.constant 1 : i32
      %get3A_373 = arith.index_cast %get3A_372 : i32 to index
      %get3A_374 = arith.index_cast %mul3A_366 : i32 to index
      %get3A_375 = tpu.vector_load %arg8[%get3A_373, %get3A_374] {strides = array<i32>} : memref<2x4096xf32, #tpu.memory_space<vmem>>, vector<16xf32>,
      %sub3A_376 = arith.subf %get3A_375, %gather3A_371 : vector<16xf32>
      %mul3A_377 = arith.mulf %sub3A_376, %sub3A_376 : vector<16xf32>
      %add3A_378 = arith.addf %add3A_306, %mul3A_377 : vector<16xf32>
      %mul3A_379 = arith.constant 8 : i32
      %mul3A_380 = arith.muli %scan3A_287, %mul3A_379 : i32
      %add3A_381 = arith.constant 5 : i32
      %add3A_382 = arith.addi %mul3A_380, %add3A_381 : i32
      %mul3A_383 = arith.constant 16 : i32
      %mul3A_384 = arith.muli %add3A_382, %mul3A_383 : i32
      %add3A_385 = arith.constant 4096 : i32
      %add3A_386 = arith.addi %add3A_385, %mul3A_384 : i32
      %get3A_387 = arith.index_cast %add3A_386 : i32 to index
      %get3A_388 = tpu.vector_load %arg7[%get3A_387] {strides = array<i32>} : memref<16384xi32, #tpu.memory_space<vmem>>, vector<16xi32>,
      %gather3A_389 = tpu.vector_load_idx %arg6[%get3A_388] : memref<100000xf32, #tpu.memory_space<vmem>>[vector<16xi32>], vector<16xf32>,
      %get3A_390 = arith.constant 1 : i32
      %get3A_391 = arith.index_cast %get3A_390 : i32 to index
      %get3A_392 = arith.index_cast %mul3A_384 : i32 to index
      %get3A_393 = tpu.vector_load %arg8[%get3A_391, %get3A_392] {strides = array<i32>} : memref<2x4096xf32, #tpu.memory_space<vmem>>, vector<16xf32>,
      %sub3A_394 = arith.subf %get3A_393, %gather3A_389 : vector<16xf32>
      %mul3A_395 = arith.mulf %sub3A_394, %sub3A_394 : vector<16xf32>
      %add3A_396 = arith.addf %add3A_324, %mul3A_395 : vector<16xf32>
      %mul3A_397 = arith.constant 8 : i32
      %mul3A_398 = arith.muli %scan3A_287, %mul3A_397 : i32
      %add3A_399 = arith.constant 6 : i32
      %add3A_400 = arith.addi %mul3A_398, %add3A_399 : i32
      %mul3A_401 = arith.constant 16 : i32
      %mul3A_402 = arith.muli %add3A_400, %mul3A_401 : i32
      %add3A_403 = arith.constant 4096 : i32
      %add3A_404 = arith.addi %add3A_403, %mul3A_402 : i32
      %get3A_405 = arith.index_cast %add3A_404 : i32 to index
      %get3A_406 = tpu.vector_load %arg7[%get3A_405] {strides = array<i32>} : memref<16384xi32, #tpu.memory_space<vmem>>, vector<16xi32>,
      %gather3A_407 = tpu.vector_load_idx %arg6[%get3A_406] : memref<100000xf32, #tpu.memory_space<vmem>>[vector<16xi32>], vector<16xf32>,
      %get3A_408 = arith.constant 1 : i32
      %get3A_409 = arith.index_cast %get3A_408 : i32 to index
      %get3A_410 = arith.index_cast %mul3A_402 : i32 to index
      %get3A_411 = tpu.vector_load %arg8[%get3A_409, %get3A_410] {strides = array<i32>} : memref<2x4096xf32, #tpu.memory_space<vmem>>, vector<16xf32>,
      %sub3A_412 = arith.subf %get3A_411, %gather3A_407 : vector<16xf32>
      %mul3A_413 = arith.mulf %sub3A_412, %sub3A_412 : vector<16xf32>
      %add3A_414 = arith.addf %add3A_342, %mul3A_413 : vector<16xf32>
      %mul3A_415 = arith.constant 8 : i32
      %mul3A_416 = arith.muli %scan3A_287, %mul3A_415 : i32
      %add3A_417 = arith.constant 7 : i32
      %add3A_418 = arith.addi %mul3A_416, %add3A_417 : i32
      %mul3A_419 = arith.constant 16 : i32
      %mul3A_420 = arith.muli %add3A_418, %mul3A_419 : i32
      %add3A_421 = arith.constant 4096 : i32
      %add3A_422 = arith.addi %add3A_421, %mul3A_420 : i32
      %get3A_423 = arith.index_cast %add3A_422 : i32 to index
      %get3A_424 = tpu.vector_load %arg7[%get3A_423] {strides = array<i32>} : memref<16384xi32, #tpu.memory_space<vmem>>, vector<16xi32>,
      %gather3A_425 = tpu.vector_load_idx %arg6[%get3A_424] : memref<100000xf32, #tpu.memory_space<vmem>>[vector<16xi32>], vector<16xf32>,
      %get3A_426 = arith.constant 1 : i32
      %get3A_427 = arith.index_cast %get3A_426 : i32 to index
      %get3A_428 = arith.index_cast %mul3A_420 : i32 to index
      %get3A_429 = tpu.vector_load %arg8[%get3A_427, %get3A_428] {strides = array<i32>} : memref<2x4096xf32, #tpu.memory_space<vmem>>, vector<16xf32>,
      %sub3A_430 = arith.subf %get3A_429, %gather3A_425 : vector<16xf32>
      %mul3A_431 = arith.mulf %sub3A_430, %sub3A_430 : vector<16xf32>
      %add3A_432 = arith.addf %add3A_360, %mul3A_431 : vector<16xf32>
      scf.yield %add3A_378, %add3A_396, %add3A_414, %add3A_432 : vector<16xf32>, vector<16xf32>, vector<16xf32>, vector<16xf32>
    }
    %scan3A_231 = arith.constant 32 : i32
    %dma_start3A_232 = arith.constant 1 : i32
    %dma_start3A_233 = arith.constant 0 : i32
    %dma_start3A_234 = tpu.memref_slice %arg8[%dma_start3A_232, %dma_start3A_233] : memref<2x4096xf32, #tpu.memory_space<vmem>> -> memref<1x4096xf32, #tpu.memory_space<vmem>>
    %dma_start3A_235 = tpu.memref_squeeze %dma_start3A_234 : memref<1x4096xf32, #tpu.memory_space<vmem>> -> memref<4096xf32, #tpu.memory_space<vmem>>
    %dma_start3A_236 = arith.constant 12288 : i32
    %dma_start3A_237 = tpu.memref_slice %arg2[%add3A_142, %dma_start3A_236] : memref<64x16384xf32, #tpu.memory_space<hbm>> -> memref<1x4096xf32, #tpu.memory_space<hbm>>
    %dma_start3A_238 = tpu.memref_squeeze %dma_start3A_237 : memref<1x4096xf32, #tpu.memory_space<hbm>> -> memref<4096xf32, #tpu.memory_space<hbm>>
    %dma_start3A_239 = arith.constant 0 : i32
    %dma_start3A_240 = tpu.memref_slice %arg8[%dma_start3A_232, %dma_start3A_239] : memref<2x4096xf32, #tpu.memory_space<vmem>> -> memref<1x4096xf32, #tpu.memory_space<vmem>>
    %dma_start3A_241 = tpu.memref_squeeze %dma_start3A_240 : memref<1x4096xf32, #tpu.memory_space<vmem>> -> memref<4096xf32, #tpu.memory_space<vmem>>
    %dma_start3A_242 = arith.constant 12288 : i32
    %dma_start3A_243 = tpu.memref_slice %arg2[%add3A_142, %dma_start3A_242] : memref<64x16384xf32, #tpu.memory_space<hbm>> -> memref<1x4096xf32, #tpu.memory_space<hbm>>
    %dma_start3A_244 = tpu.memref_squeeze %dma_start3A_243 : memref<1x4096xf32, #tpu.memory_space<hbm>> -> memref<4096xf32, #tpu.memory_space<hbm>>
    tpu.enqueue_dma source(%dma_start3A_244 : memref<4096xf32, #tpu.memory_space<hbm>>) target(%dma_start3A_241 : memref<4096xf32, #tpu.memory_space<vmem>>) target_semaphore(%arg12 : memref<!tpu.dma_semaphore, #tpu.memory_space<semaphore_mem>>)
    %dma_wait3A_245 = arith.constant 0 : i32
    %dma_wait3A_246 = arith.constant 0 : i32
    %dma_wait3A_247 = tpu.memref_slice %arg8[%dma_wait3A_245, %dma_wait3A_246] : memref<2x4096xf32, #tpu.memory_space<vmem>> -> memref<1x4096xf32, #tpu.memory_space<vmem>>
    %dma_wait3A_248 = tpu.memref_squeeze %dma_wait3A_247 : memref<1x4096xf32, #tpu.memory_space<vmem>> -> memref<4096xf32, #tpu.memory_space<vmem>>
    %dma_wait3A_249 = arith.constant 8192 : i32
    %dma_wait3A_250 = tpu.memref_slice %arg2[%add3A_142, %dma_wait3A_249] : memref<64x16384xf32, #tpu.memory_space<hbm>> -> memref<1x4096xf32, #tpu.memory_space<hbm>>
    %dma_wait3A_251 = tpu.memref_squeeze %dma_wait3A_250 : memref<1x4096xf32, #tpu.memory_space<hbm>> -> memref<4096xf32, #tpu.memory_space<hbm>>
    %dma_wait3A_252 = arith.constant 0 : i32
    %dma_wait3A_253 = tpu.memref_slice %arg8[%dma_wait3A_245, %dma_wait3A_252] : memref<2x4096xf32, #tpu.memory_space<vmem>> -> memref<1x4096xf32, #tpu.memory_space<vmem>>
    %dma_wait3A_254 = tpu.memref_squeeze %dma_wait3A_253 : memref<1x4096xf32, #tpu.memory_space<vmem>> -> memref<4096xf32, #tpu.memory_space<vmem>>
    %dma_wait3A_255 = arith.constant 8192 : i32
    %dma_wait3A_256 = tpu.memref_slice %arg2[%add3A_142, %dma_wait3A_255] : memref<64x16384xf32, #tpu.memory_space<hbm>> -> memref<1x4096xf32, #tpu.memory_space<hbm>>
    %dma_wait3A_257 = tpu.memref_squeeze %dma_wait3A_256 : memref<1x4096xf32, #tpu.memory_space<hbm>> -> memref<4096xf32, #tpu.memory_space<hbm>>
    tpu.wait_dma2 semaphore(%arg11 : memref<!tpu.dma_semaphore, #tpu.memory_space<semaphore_mem>>) src(%dma_wait3A_257 : memref<4096xf32, #tpu.memory_space<hbm>>) dst(%dma_wait3A_254 : memref<4096xf32, #tpu.memory_space<vmem>>)
    %scan3A_258 = arith.constant 0 : i32
    %scan3A_259 = arith.constant 32 : i32
    %scan3A_260 = arith.addi %scan3A_258, %scan3A_259 : i32
    %scan3A_261 = arith.constant 1 : i32
    %scan3A_262:4 = scf.for %scan3A_287 = %scan3A_258 to %scan3A_260 step %scan3A_261 iter_args(%scan3A_288 = %scan3A_230#0, %scan3A_289 = %scan3A_230#1, %scan3A_290 = %scan3A_230#2, %scan3A_291 = %scan3A_230#3) -> (vector<16xf32>, vector<16xf32>, vector<16xf32>, vector<16xf32>)  : i32 {
      %mul3A_292 = arith.constant 8 : i32
      %mul3A_293 = arith.muli %scan3A_287, %mul3A_292 : i32
      %add3A_294 = arith.constant 0 : i32
      %add3A_295 = arith.addi %mul3A_293, %add3A_294 : i32
      %mul3A_296 = arith.constant 16 : i32
      %mul3A_297 = arith.muli %add3A_295, %mul3A_296 : i32
      %add3A_298 = arith.constant 8192 : i32
      %add3A_299 = arith.addi %add3A_298, %mul3A_297 : i32
      %get3A = arith.index_cast %add3A_299 : i32 to index
      %get3A_300 = tpu.vector_load %arg7[%get3A] {strides = array<i32>} : memref<16384xi32, #tpu.memory_space<vmem>>, vector<16xi32>,
      %gather3A = tpu.vector_load_idx %arg6[%get3A_300] : memref<100000xf32, #tpu.memory_space<vmem>>[vector<16xi32>], vector<16xf32>,
      %get3A_301 = arith.constant 0 : i32
      %get3A_302 = arith.index_cast %get3A_301 : i32 to index
      %get3A_303 = arith.index_cast %mul3A_297 : i32 to index
      %get3A_304 = tpu.vector_load %arg8[%get3A_302, %get3A_303] {strides = array<i32>} : memref<2x4096xf32, #tpu.memory_space<vmem>>, vector<16xf32>,
      %sub3A = arith.subf %get3A_304, %gather3A : vector<16xf32>
      %mul3A_305 = arith.mulf %sub3A, %sub3A : vector<16xf32>
      %add3A_306 = arith.addf %scan3A_288, %mul3A_305 : vector<16xf32>
      %mul3A_307 = arith.constant 8 : i32
      %mul3A_308 = arith.muli %scan3A_287, %mul3A_307 : i32
      %add3A_309 = arith.constant 1 : i32
      %add3A_310 = arith.addi %mul3A_308, %add3A_309 : i32
      %mul3A_311 = arith.constant 16 : i32
      %mul3A_312 = arith.muli %add3A_310, %mul3A_311 : i32
      %add3A_313 = arith.constant 8192 : i32
      %add3A_314 = arith.addi %add3A_313, %mul3A_312 : i32
      %get3A_315 = arith.index_cast %add3A_314 : i32 to index
      %get3A_316 = tpu.vector_load %arg7[%get3A_315] {strides = array<i32>} : memref<16384xi32, #tpu.memory_space<vmem>>, vector<16xi32>,
      %gather3A_317 = tpu.vector_load_idx %arg6[%get3A_316] : memref<100000xf32, #tpu.memory_space<vmem>>[vector<16xi32>], vector<16xf32>,
      %get3A_318 = arith.constant 0 : i32
      %get3A_319 = arith.index_cast %get3A_318 : i32 to index
      %get3A_320 = arith.index_cast %mul3A_312 : i32 to index
      %get3A_321 = tpu.vector_load %arg8[%get3A_319, %get3A_320] {strides = array<i32>} : memref<2x4096xf32, #tpu.memory_space<vmem>>, vector<16xf32>,
      %sub3A_322 = arith.subf %get3A_321, %gather3A_317 : vector<16xf32>
      %mul3A_323 = arith.mulf %sub3A_322, %sub3A_322 : vector<16xf32>
      %add3A_324 = arith.addf %scan3A_289, %mul3A_323 : vector<16xf32>
      %mul3A_325 = arith.constant 8 : i32
      %mul3A_326 = arith.muli %scan3A_287, %mul3A_325 : i32
      %add3A_327 = arith.constant 2 : i32
      %add3A_328 = arith.addi %mul3A_326, %add3A_327 : i32
      %mul3A_329 = arith.constant 16 : i32
      %mul3A_330 = arith.muli %add3A_328, %mul3A_329 : i32
      %add3A_331 = arith.constant 8192 : i32
      %add3A_332 = arith.addi %add3A_331, %mul3A_330 : i32
      %get3A_333 = arith.index_cast %add3A_332 : i32 to index
      %get3A_334 = tpu.vector_load %arg7[%get3A_333] {strides = array<i32>} : memref<16384xi32, #tpu.memory_space<vmem>>, vector<16xi32>,
      %gather3A_335 = tpu.vector_load_idx %arg6[%get3A_334] : memref<100000xf32, #tpu.memory_space<vmem>>[vector<16xi32>], vector<16xf32>,
      %get3A_336 = arith.constant 0 : i32
      %get3A_337 = arith.index_cast %get3A_336 : i32 to index
      %get3A_338 = arith.index_cast %mul3A_330 : i32 to index
      %get3A_339 = tpu.vector_load %arg8[%get3A_337, %get3A_338] {strides = array<i32>} : memref<2x4096xf32, #tpu.memory_space<vmem>>, vector<16xf32>,
      %sub3A_340 = arith.subf %get3A_339, %gather3A_335 : vector<16xf32>
      %mul3A_341 = arith.mulf %sub3A_340, %sub3A_340 : vector<16xf32>
      %add3A_342 = arith.addf %scan3A_290, %mul3A_341 : vector<16xf32>
      %mul3A_343 = arith.constant 8 : i32
      %mul3A_344 = arith.muli %scan3A_287, %mul3A_343 : i32
      %add3A_345 = arith.constant 3 : i32
      %add3A_346 = arith.addi %mul3A_344, %add3A_345 : i32
      %mul3A_347 = arith.constant 16 : i32
      %mul3A_348 = arith.muli %add3A_346, %mul3A_347 : i32
      %add3A_349 = arith.constant 8192 : i32
      %add3A_350 = arith.addi %add3A_349, %mul3A_348 : i32
      %get3A_351 = arith.index_cast %add3A_350 : i32 to index
      %get3A_352 = tpu.vector_load %arg7[%get3A_351] {strides = array<i32>} : memref<16384xi32, #tpu.memory_space<vmem>>, vector<16xi32>,
      %gather3A_353 = tpu.vector_load_idx %arg6[%get3A_352] : memref<100000xf32, #tpu.memory_space<vmem>>[vector<16xi32>], vector<16xf32>,
      %get3A_354 = arith.constant 0 : i32
      %get3A_355 = arith.index_cast %get3A_354 : i32 to index
      %get3A_356 = arith.index_cast %mul3A_348 : i32 to index
      %get3A_357 = tpu.vector_load %arg8[%get3A_355, %get3A_356] {strides = array<i32>} : memref<2x4096xf32, #tpu.memory_space<vmem>>, vector<16xf32>,
      %sub3A_358 = arith.subf %get3A_357, %gather3A_353 : vector<16xf32>
      %mul3A_359 = arith.mulf %sub3A_358, %sub3A_358 : vector<16xf32>
      %add3A_360 = arith.addf %scan3A_291, %mul3A_359 : vector<16xf32>
      %mul3A_361 = arith.constant 8 : i32
      %mul3A_362 = arith.muli %scan3A_287, %mul3A_361 : i32
      %add3A_363 = arith.constant 4 : i32
      %add3A_364 = arith.addi %mul3A_362, %add3A_363 : i32
      %mul3A_365 = arith.constant 16 : i32
      %mul3A_366 = arith.muli %add3A_364, %mul3A_365 : i32
      %add3A_367 = arith.constant 8192 : i32
      %add3A_368 = arith.addi %add3A_367, %mul3A_366 : i32
      %get3A_369 = arith.index_cast %add3A_368 : i32 to index
      %get3A_370 = tpu.vector_load %arg7[%get3A_369] {strides = array<i32>} : memref<16384xi32, #tpu.memory_space<vmem>>, vector<16xi32>,
      %gather3A_371 = tpu.vector_load_idx %arg6[%get3A_370] : memref<100000xf32, #tpu.memory_space<vmem>>[vector<16xi32>], vector<16xf32>,
      %get3A_372 = arith.constant 0 : i32
      %get3A_373 = arith.index_cast %get3A_372 : i32 to index
      %get3A_374 = arith.index_cast %mul3A_366 : i32 to index
      %get3A_375 = tpu.vector_load %arg8[%get3A_373, %get3A_374] {strides = array<i32>} : memref<2x4096xf32, #tpu.memory_space<vmem>>, vector<16xf32>,
      %sub3A_376 = arith.subf %get3A_375, %gather3A_371 : vector<16xf32>
      %mul3A_377 = arith.mulf %sub3A_376, %sub3A_376 : vector<16xf32>
      %add3A_378 = arith.addf %add3A_306, %mul3A_377 : vector<16xf32>
      %mul3A_379 = arith.constant 8 : i32
      %mul3A_380 = arith.muli %scan3A_287, %mul3A_379 : i32
      %add3A_381 = arith.constant 5 : i32
      %add3A_382 = arith.addi %mul3A_380, %add3A_381 : i32
      %mul3A_383 = arith.constant 16 : i32
      %mul3A_384 = arith.muli %add3A_382, %mul3A_383 : i32
      %add3A_385 = arith.constant 8192 : i32
      %add3A_386 = arith.addi %add3A_385, %mul3A_384 : i32
      %get3A_387 = arith.index_cast %add3A_386 : i32 to index
      %get3A_388 = tpu.vector_load %arg7[%get3A_387] {strides = array<i32>} : memref<16384xi32, #tpu.memory_space<vmem>>, vector<16xi32>,
      %gather3A_389 = tpu.vector_load_idx %arg6[%get3A_388] : memref<100000xf32, #tpu.memory_space<vmem>>[vector<16xi32>], vector<16xf32>,
      %get3A_390 = arith.constant 0 : i32
      %get3A_391 = arith.index_cast %get3A_390 : i32 to index
      %get3A_392 = arith.index_cast %mul3A_384 : i32 to index
      %get3A_393 = tpu.vector_load %arg8[%get3A_391, %get3A_392] {strides = array<i32>} : memref<2x4096xf32, #tpu.memory_space<vmem>>, vector<16xf32>,
      %sub3A_394 = arith.subf %get3A_393, %gather3A_389 : vector<16xf32>
      %mul3A_395 = arith.mulf %sub3A_394, %sub3A_394 : vector<16xf32>
      %add3A_396 = arith.addf %add3A_324, %mul3A_395 : vector<16xf32>
      %mul3A_397 = arith.constant 8 : i32
      %mul3A_398 = arith.muli %scan3A_287, %mul3A_397 : i32
      %add3A_399 = arith.constant 6 : i32
      %add3A_400 = arith.addi %mul3A_398, %add3A_399 : i32
      %mul3A_401 = arith.constant 16 : i32
      %mul3A_402 = arith.muli %add3A_400, %mul3A_401 : i32
      %add3A_403 = arith.constant 8192 : i32
      %add3A_404 = arith.addi %add3A_403, %mul3A_402 : i32
      %get3A_405 = arith.index_cast %add3A_404 : i32 to index
      %get3A_406 = tpu.vector_load %arg7[%get3A_405] {strides = array<i32>} : memref<16384xi32, #tpu.memory_space<vmem>>, vector<16xi32>,
      %gather3A_407 = tpu.vector_load_idx %arg6[%get3A_406] : memref<100000xf32, #tpu.memory_space<vmem>>[vector<16xi32>], vector<16xf32>,
      %get3A_408 = arith.constant 0 : i32
      %get3A_409 = arith.index_cast %get3A_408 : i32 to index
      %get3A_410 = arith.index_cast %mul3A_402 : i32 to index
      %get3A_411 = tpu.vector_load %arg8[%get3A_409, %get3A_410] {strides = array<i32>} : memref<2x4096xf32, #tpu.memory_space<vmem>>, vector<16xf32>,
      %sub3A_412 = arith.subf %get3A_411, %gather3A_407 : vector<16xf32>
      %mul3A_413 = arith.mulf %sub3A_412, %sub3A_412 : vector<16xf32>
      %add3A_414 = arith.addf %add3A_342, %mul3A_413 : vector<16xf32>
      %mul3A_415 = arith.constant 8 : i32
      %mul3A_416 = arith.muli %scan3A_287, %mul3A_415 : i32
      %add3A_417 = arith.constant 7 : i32
      %add3A_418 = arith.addi %mul3A_416, %add3A_417 : i32
      %mul3A_419 = arith.constant 16 : i32
      %mul3A_420 = arith.muli %add3A_418, %mul3A_419 : i32
      %add3A_421 = arith.constant 8192 : i32
      %add3A_422 = arith.addi %add3A_421, %mul3A_420 : i32
      %get3A_423 = arith.index_cast %add3A_422 : i32 to index
      %get3A_424 = tpu.vector_load %arg7[%get3A_423] {strides = array<i32>} : memref<16384xi32, #tpu.memory_space<vmem>>, vector<16xi32>,
      %gather3A_425 = tpu.vector_load_idx %arg6[%get3A_424] : memref<100000xf32, #tpu.memory_space<vmem>>[vector<16xi32>], vector<16xf32>,
      %get3A_426 = arith.constant 0 : i32
      %get3A_427 = arith.index_cast %get3A_426 : i32 to index
      %get3A_428 = arith.index_cast %mul3A_420 : i32 to index
      %get3A_429 = tpu.vector_load %arg8[%get3A_427, %get3A_428] {strides = array<i32>} : memref<2x4096xf32, #tpu.memory_space<vmem>>, vector<16xf32>,
      %sub3A_430 = arith.subf %get3A_429, %gather3A_425 : vector<16xf32>
      %mul3A_431 = arith.mulf %sub3A_430, %sub3A_430 : vector<16xf32>
      %add3A_432 = arith.addf %add3A_360, %mul3A_431 : vector<16xf32>
      scf.yield %add3A_378, %add3A_396, %add3A_414, %add3A_432 : vector<16xf32>, vector<16xf32>, vector<16xf32>, vector<16xf32>
    }
    %scan3A_263 = arith.constant 32 : i32
    %dma_wait3A_264 = arith.constant 1 : i32
    %dma_wait3A_265 = arith.constant 0 : i32
    %dma_wait3A_266 = tpu.memref_slice %arg8[%dma_wait3A_264, %dma_wait3A_265] : memref<2x4096xf32, #tpu.memory_space<vmem>> -> memref<1x4096xf32, #tpu.memory_space<vmem>>
    %dma_wait3A_267 = tpu.memref_squeeze %dma_wait3A_266 : memref<1x4096xf32, #tpu.memory_space<vmem>> -> memref<4096xf32, #tpu.memory_space<vmem>>
    %dma_wait3A_268 = arith.constant 12288 : i32
    %dma_wait3A_269 = tpu.memref_slice %arg2[%add3A_142, %dma_wait3A_268] : memref<64x16384xf32, #tpu.memory_space<hbm>> -> memref<1x4096xf32, #tpu.memory_space<hbm>>
    %dma_wait3A_270 = tpu.memref_squeeze %dma_wait3A_269 : memref<1x4096xf32, #tpu.memory_space<hbm>> -> memref<4096xf32, #tpu.memory_space<hbm>>
    %dma_wait3A_271 = arith.constant 0 : i32
    %dma_wait3A_272 = tpu.memref_slice %arg8[%dma_wait3A_264, %dma_wait3A_271] : memref<2x4096xf32, #tpu.memory_space<vmem>> -> memref<1x4096xf32, #tpu.memory_space<vmem>>
    %dma_wait3A_273 = tpu.memref_squeeze %dma_wait3A_272 : memref<1x4096xf32, #tpu.memory_space<vmem>> -> memref<4096xf32, #tpu.memory_space<vmem>>
    %dma_wait3A_274 = arith.constant 12288 : i32
    %dma_wait3A_275 = tpu.memref_slice %arg2[%add3A_142, %dma_wait3A_274] : memref<64x16384xf32, #tpu.memory_space<hbm>> -> memref<1x4096xf32, #tpu.memory_space<hbm>>
    %dma_wait3A_276 = tpu.memref_squeeze %dma_wait3A_275 : memref<1x4096xf32, #tpu.memory_space<hbm>> -> memref<4096xf32, #tpu.memory_space<hbm>>
    tpu.wait_dma2 semaphore(%arg12 : memref<!tpu.dma_semaphore, #tpu.memory_space<semaphore_mem>>) src(%dma_wait3A_276 : memref<4096xf32, #tpu.memory_space<hbm>>) dst(%dma_wait3A_273 : memref<4096xf32, #tpu.memory_space<vmem>>)
    %scan3A_277 = arith.constant 0 : i32
    %scan3A_278 = arith.constant 32 : i32
    %scan3A_279 = arith.addi %scan3A_277, %scan3A_278 : i32
    %scan3A_280 = arith.constant 1 : i32
    %scan3A_281:4 = scf.for %scan3A_287 = %scan3A_277 to %scan3A_279 step %scan3A_280 iter_args(%scan3A_288 = %scan3A_262#0, %scan3A_289 = %scan3A_262#1, %scan3A_290 = %scan3A_262#2, %scan3A_291 = %scan3A_262#3) -> (vector<16xf32>, vector<16xf32>, vector<16xf32>, vector<16xf32>)  : i32 {
      %mul3A_292 = arith.constant 8 : i32
      %mul3A_293 = arith.muli %scan3A_287, %mul3A_292 : i32
      %add3A_294 = arith.constant 0 : i32
      %add3A_295 = arith.addi %mul3A_293, %add3A_294 : i32
      %mul3A_296 = arith.constant 16 : i32
      %mul3A_297 = arith.muli %add3A_295, %mul3A_296 : i32
      %add3A_298 = arith.constant 12288 : i32
      %add3A_299 = arith.addi %add3A_298, %mul3A_297 : i32
      %get3A = arith.index_cast %add3A_299 : i32 to index
      %get3A_300 = tpu.vector_load %arg7[%get3A] {strides = array<i32>} : memref<16384xi32, #tpu.memory_space<vmem>>, vector<16xi32>,
      %gather3A = tpu.vector_load_idx %arg6[%get3A_300] : memref<100000xf32, #tpu.memory_space<vmem>>[vector<16xi32>], vector<16xf32>,
      %get3A_301 = arith.constant 1 : i32
      %get3A_302 = arith.index_cast %get3A_301 : i32 to index
      %get3A_303 = arith.index_cast %mul3A_297 : i32 to index
      %get3A_304 = tpu.vector_load %arg8[%get3A_302, %get3A_303] {strides = array<i32>} : memref<2x4096xf32, #tpu.memory_space<vmem>>, vector<16xf32>,
      %sub3A = arith.subf %get3A_304, %gather3A : vector<16xf32>
      %mul3A_305 = arith.mulf %sub3A, %sub3A : vector<16xf32>
      %add3A_306 = arith.addf %scan3A_288, %mul3A_305 : vector<16xf32>
      %mul3A_307 = arith.constant 8 : i32
      %mul3A_308 = arith.muli %scan3A_287, %mul3A_307 : i32
      %add3A_309 = arith.constant 1 : i32
      %add3A_310 = arith.addi %mul3A_308, %add3A_309 : i32
      %mul3A_311 = arith.constant 16 : i32
      %mul3A_312 = arith.muli %add3A_310, %mul3A_311 : i32
      %add3A_313 = arith.constant 12288 : i32
      %add3A_314 = arith.addi %add3A_313, %mul3A_312 : i32
      %get3A_315 = arith.index_cast %add3A_314 : i32 to index
      %get3A_316 = tpu.vector_load %arg7[%get3A_315] {strides = array<i32>} : memref<16384xi32, #tpu.memory_space<vmem>>, vector<16xi32>,
      %gather3A_317 = tpu.vector_load_idx %arg6[%get3A_316] : memref<100000xf32, #tpu.memory_space<vmem>>[vector<16xi32>], vector<16xf32>,
      %get3A_318 = arith.constant 1 : i32
      %get3A_319 = arith.index_cast %get3A_318 : i32 to index
      %get3A_320 = arith.index_cast %mul3A_312 : i32 to index
      %get3A_321 = tpu.vector_load %arg8[%get3A_319, %get3A_320] {strides = array<i32>} : memref<2x4096xf32, #tpu.memory_space<vmem>>, vector<16xf32>,
      %sub3A_322 = arith.subf %get3A_321, %gather3A_317 : vector<16xf32>
      %mul3A_323 = arith.mulf %sub3A_322, %sub3A_322 : vector<16xf32>
      %add3A_324 = arith.addf %scan3A_289, %mul3A_323 : vector<16xf32>
      %mul3A_325 = arith.constant 8 : i32
      %mul3A_326 = arith.muli %scan3A_287, %mul3A_325 : i32
      %add3A_327 = arith.constant 2 : i32
      %add3A_328 = arith.addi %mul3A_326, %add3A_327 : i32
      %mul3A_329 = arith.constant 16 : i32
      %mul3A_330 = arith.muli %add3A_328, %mul3A_329 : i32
      %add3A_331 = arith.constant 12288 : i32
      %add3A_332 = arith.addi %add3A_331, %mul3A_330 : i32
      %get3A_333 = arith.index_cast %add3A_332 : i32 to index
      %get3A_334 = tpu.vector_load %arg7[%get3A_333] {strides = array<i32>} : memref<16384xi32, #tpu.memory_space<vmem>>, vector<16xi32>,
      %gather3A_335 = tpu.vector_load_idx %arg6[%get3A_334] : memref<100000xf32, #tpu.memory_space<vmem>>[vector<16xi32>], vector<16xf32>,
      %get3A_336 = arith.constant 1 : i32
      %get3A_337 = arith.index_cast %get3A_336 : i32 to index
      %get3A_338 = arith.index_cast %mul3A_330 : i32 to index
      %get3A_339 = tpu.vector_load %arg8[%get3A_337, %get3A_338] {strides = array<i32>} : memref<2x4096xf32, #tpu.memory_space<vmem>>, vector<16xf32>,
      %sub3A_340 = arith.subf %get3A_339, %gather3A_335 : vector<16xf32>
      %mul3A_341 = arith.mulf %sub3A_340, %sub3A_340 : vector<16xf32>
      %add3A_342 = arith.addf %scan3A_290, %mul3A_341 : vector<16xf32>
      %mul3A_343 = arith.constant 8 : i32
      %mul3A_344 = arith.muli %scan3A_287, %mul3A_343 : i32
      %add3A_345 = arith.constant 3 : i32
      %add3A_346 = arith.addi %mul3A_344, %add3A_345 : i32
      %mul3A_347 = arith.constant 16 : i32
      %mul3A_348 = arith.muli %add3A_346, %mul3A_347 : i32
      %add3A_349 = arith.constant 12288 : i32
      %add3A_350 = arith.addi %add3A_349, %mul3A_348 : i32
      %get3A_351 = arith.index_cast %add3A_350 : i32 to index
      %get3A_352 = tpu.vector_load %arg7[%get3A_351] {strides = array<i32>} : memref<16384xi32, #tpu.memory_space<vmem>>, vector<16xi32>,
      %gather3A_353 = tpu.vector_load_idx %arg6[%get3A_352] : memref<100000xf32, #tpu.memory_space<vmem>>[vector<16xi32>], vector<16xf32>,
      %get3A_354 = arith.constant 1 : i32
      %get3A_355 = arith.index_cast %get3A_354 : i32 to index
      %get3A_356 = arith.index_cast %mul3A_348 : i32 to index
      %get3A_357 = tpu.vector_load %arg8[%get3A_355, %get3A_356] {strides = array<i32>} : memref<2x4096xf32, #tpu.memory_space<vmem>>, vector<16xf32>,
      %sub3A_358 = arith.subf %get3A_357, %gather3A_353 : vector<16xf32>
      %mul3A_359 = arith.mulf %sub3A_358, %sub3A_358 : vector<16xf32>
      %add3A_360 = arith.addf %scan3A_291, %mul3A_359 : vector<16xf32>
      %mul3A_361 = arith.constant 8 : i32
      %mul3A_362 = arith.muli %scan3A_287, %mul3A_361 : i32
      %add3A_363 = arith.constant 4 : i32
      %add3A_364 = arith.addi %mul3A_362, %add3A_363 : i32
      %mul3A_365 = arith.constant 16 : i32
      %mul3A_366 = arith.muli %add3A_364, %mul3A_365 : i32
      %add3A_367 = arith.constant 12288 : i32
      %add3A_368 = arith.addi %add3A_367, %mul3A_366 : i32
      %get3A_369 = arith.index_cast %add3A_368 : i32 to index
      %get3A_370 = tpu.vector_load %arg7[%get3A_369] {strides = array<i32>} : memref<16384xi32, #tpu.memory_space<vmem>>, vector<16xi32>,
      %gather3A_371 = tpu.vector_load_idx %arg6[%get3A_370] : memref<100000xf32, #tpu.memory_space<vmem>>[vector<16xi32>], vector<16xf32>,
      %get3A_372 = arith.constant 1 : i32
      %get3A_373 = arith.index_cast %get3A_372 : i32 to index
      %get3A_374 = arith.index_cast %mul3A_366 : i32 to index
      %get3A_375 = tpu.vector_load %arg8[%get3A_373, %get3A_374] {strides = array<i32>} : memref<2x4096xf32, #tpu.memory_space<vmem>>, vector<16xf32>,
      %sub3A_376 = arith.subf %get3A_375, %gather3A_371 : vector<16xf32>
      %mul3A_377 = arith.mulf %sub3A_376, %sub3A_376 : vector<16xf32>
      %add3A_378 = arith.addf %add3A_306, %mul3A_377 : vector<16xf32>
      %mul3A_379 = arith.constant 8 : i32
      %mul3A_380 = arith.muli %scan3A_287, %mul3A_379 : i32
      %add3A_381 = arith.constant 5 : i32
      %add3A_382 = arith.addi %mul3A_380, %add3A_381 : i32
      %mul3A_383 = arith.constant 16 : i32
      %mul3A_384 = arith.muli %add3A_382, %mul3A_383 : i32
      %add3A_385 = arith.constant 12288 : i32
      %add3A_386 = arith.addi %add3A_385, %mul3A_384 : i32
      %get3A_387 = arith.index_cast %add3A_386 : i32 to index
      %get3A_388 = tpu.vector_load %arg7[%get3A_387] {strides = array<i32>} : memref<16384xi32, #tpu.memory_space<vmem>>, vector<16xi32>,
      %gather3A_389 = tpu.vector_load_idx %arg6[%get3A_388] : memref<100000xf32, #tpu.memory_space<vmem>>[vector<16xi32>], vector<16xf32>,
      %get3A_390 = arith.constant 1 : i32
      %get3A_391 = arith.index_cast %get3A_390 : i32 to index
      %get3A_392 = arith.index_cast %mul3A_384 : i32 to index
      %get3A_393 = tpu.vector_load %arg8[%get3A_391, %get3A_392] {strides = array<i32>} : memref<2x4096xf32, #tpu.memory_space<vmem>>, vector<16xf32>,
      %sub3A_394 = arith.subf %get3A_393, %gather3A_389 : vector<16xf32>
      %mul3A_395 = arith.mulf %sub3A_394, %sub3A_394 : vector<16xf32>
      %add3A_396 = arith.addf %add3A_324, %mul3A_395 : vector<16xf32>
      %mul3A_397 = arith.constant 8 : i32
      %mul3A_398 = arith.muli %scan3A_287, %mul3A_397 : i32
      %add3A_399 = arith.constant 6 : i32
      %add3A_400 = arith.addi %mul3A_398, %add3A_399 : i32
      %mul3A_401 = arith.constant 16 : i32
      %mul3A_402 = arith.muli %add3A_400, %mul3A_401 : i32
      %add3A_403 = arith.constant 12288 : i32
      %add3A_404 = arith.addi %add3A_403, %mul3A_402 : i32
      %get3A_405 = arith.index_cast %add3A_404 : i32 to index
      %get3A_406 = tpu.vector_load %arg7[%get3A_405] {strides = array<i32>} : memref<16384xi32, #tpu.memory_space<vmem>>, vector<16xi32>,
      %gather3A_407 = tpu.vector_load_idx %arg6[%get3A_406] : memref<100000xf32, #tpu.memory_space<vmem>>[vector<16xi32>], vector<16xf32>,
      %get3A_408 = arith.constant 1 : i32
      %get3A_409 = arith.index_cast %get3A_408 : i32 to index
      %get3A_410 = arith.index_cast %mul3A_402 : i32 to index
      %get3A_411 = tpu.vector_load %arg8[%get3A_409, %get3A_410] {strides = array<i32>} : memref<2x4096xf32, #tpu.memory_space<vmem>>, vector<16xf32>,
      %sub3A_412 = arith.subf %get3A_411, %gather3A_407 : vector<16xf32>
      %mul3A_413 = arith.mulf %sub3A_412, %sub3A_412 : vector<16xf32>
      %add3A_414 = arith.addf %add3A_342, %mul3A_413 : vector<16xf32>
      %mul3A_415 = arith.constant 8 : i32
      %mul3A_416 = arith.muli %scan3A_287, %mul3A_415 : i32
      %add3A_417 = arith.constant 7 : i32
      %add3A_418 = arith.addi %mul3A_416, %add3A_417 : i32
      %mul3A_419 = arith.constant 16 : i32
      %mul3A_420 = arith.muli %add3A_418, %mul3A_419 : i32
      %add3A_421 = arith.constant 12288 : i32
      %add3A_422 = arith.addi %add3A_421, %mul3A_420 : i32
      %get3A_423 = arith.index_cast %add3A_422 : i32 to index
      %get3A_424 = tpu.vector_load %arg7[%get3A_423] {strides = array<i32>} : memref<16384xi32, #tpu.memory_space<vmem>>, vector<16xi32>,
      %gather3A_425 = tpu.vector_load_idx %arg6[%get3A_424] : memref<100000xf32, #tpu.memory_space<vmem>>[vector<16xi32>], vector<16xf32>,
      %get3A_426 = arith.constant 1 : i32
      %get3A_427 = arith.index_cast %get3A_426 : i32 to index
      %get3A_428 = arith.index_cast %mul3A_420 : i32 to index
      %get3A_429 = tpu.vector_load %arg8[%get3A_427, %get3A_428] {strides = array<i32>} : memref<2x4096xf32, #tpu.memory_space<vmem>>, vector<16xf32>,
      %sub3A_430 = arith.subf %get3A_429, %gather3A_425 : vector<16xf32>
      %mul3A_431 = arith.mulf %sub3A_430, %sub3A_430 : vector<16xf32>
      %add3A_432 = arith.addf %add3A_360, %mul3A_431 : vector<16xf32>
      scf.yield %add3A_378, %add3A_396, %add3A_414, %add3A_432 : vector<16xf32>, vector<16xf32>, vector<16xf32>, vector<16xf32>
    }
    %scan3A_282 = arith.constant 32 : i32
    %add3A_283 = arith.addf %scan3A_281#0, %scan3A_281#1 : vector<16xf32>
    %add3A_284 = arith.addf %add3A_283, %scan3A_281#2 : vector<16xf32>
    %add3A_285 = arith.addf %add3A_284, %scan3A_281#3 : vector<16xf32>
    %swap3A = arith.constant 0 : index
    %swap3A_286 = tpu.vector_load %arg9[%swap3A] {strides = array<i32>} : memref<16xf32, #tpu.memory_space<vmem>>, vector<16xf32>,
    tpu.vector_store %arg9[%swap3A], %add3A_285 {strides = array<i32>} : memref<16xf32, #tpu.memory_space<vmem>>, vector<16xf32>,
    "tpu.region"() ({
      %run_scoped3A = tpu.sem_alloc : memref<!tpu.dma_semaphore, #tpu.memory_space<semaphore_mem>>
      %dma_start3A_287 = arith.constant 0 : i32
      %dma_start3A_288 = tpu.memref_slice %arg5[%add3A, %dma_start3A_287] : memref<32x16xf32, #tpu.memory_space<hbm>> -> memref<1x16xf32, #tpu.memory_space<hbm>>
      %dma_start3A_289 = tpu.memref_squeeze %dma_start3A_288 : memref<1x16xf32, #tpu.memory_space<hbm>> -> memref<16xf32, #tpu.memory_space<hbm>>
      %dma_start3A_290 = arith.constant 0 : i32
      %dma_start3A_291 = tpu.memref_slice %arg5[%add3A, %dma_start3A_290] : memref<32x16xf32, #tpu.memory_space<hbm>> -> memref<1x16xf32, #tpu.memory_space<hbm>>
      %dma_start3A_292 = tpu.memref_squeeze %dma_start3A_291 : memref<1x16xf32, #tpu.memory_space<hbm>> -> memref<16xf32, #tpu.memory_space<hbm>>
      tpu.enqueue_dma source(%arg9 : memref<16xf32, #tpu.memory_space<vmem>>) target(%dma_start3A_292 : memref<16xf32, #tpu.memory_space<hbm>>) target_semaphore(%run_scoped3A : memref<!tpu.dma_semaphore, #tpu.memory_space<semaphore_mem>>)
      %dma_wait3A_293 = arith.constant 0 : i32
      %dma_wait3A_294 = tpu.memref_slice %arg5[%add3A, %dma_wait3A_293] : memref<32x16xf32, #tpu.memory_space<hbm>> -> memref<1x16xf32, #tpu.memory_space<hbm>>
      %dma_wait3A_295 = tpu.memref_squeeze %dma_wait3A_294 : memref<1x16xf32, #tpu.memory_space<hbm>> -> memref<16xf32, #tpu.memory_space<hbm>>
      %dma_wait3A_296 = arith.constant 0 : i32
      %dma_wait3A_297 = tpu.memref_slice %arg5[%add3A, %dma_wait3A_296] : memref<32x16xf32, #tpu.memory_space<hbm>> -> memref<1x16xf32, #tpu.memory_space<hbm>>
      %dma_wait3A_298 = tpu.memref_squeeze %dma_wait3A_297 : memref<1x16xf32, #tpu.memory_space<hbm>> -> memref<16xf32, #tpu.memory_space<hbm>>
      tpu.wait_dma2 semaphore(%run_scoped3A : memref<!tpu.dma_semaphore, #tpu.memory_space<semaphore_mem>>) src(%arg9 : memref<16xf32, #tpu.memory_space<vmem>>) dst(%dma_wait3A_298 : memref<16xf32, #tpu.memory_space<hbm>>)
      tpu.yield
    }) : () -> ()
    return
  }
}

module attributes {stable_mosaic.version = 14 : i64} {
  func.func @_reduce_body(%arg0: memref<32x16xf32, #tpu.memory_space<vmem>>, %arg1: memref<1x1xf32, #tpu.memory_space<smem>>) attributes {dimension_semantics = [], scalar_prefetch = 0 : i64, scratch_operands = 0 : i64, tpu.core_type = #tpu.core_type<tc>} {
    %get3A = arith.constant 0 : index
    %get3A_0 = arith.constant 0 : index
    %get3A_1 = vector.load %arg0[%get3A, %get3A_0] : memref<32x16xf32, #tpu.memory_space<vmem>>, vector<32x16xf32>
    %reduce_sum3A = vector.shape_cast %get3A_1 : vector<32x16xf32> to vector<1x32x16xf32>
    %reduce_sum3A_2 = arith.constant dense<0.000000e+00> : vector<1xf32>
    %reduce_sum3A_3 = vector.multi_reduction <add>, %reduce_sum3A, %reduce_sum3A_2 [1, 2] : vector<1x32x16xf32> to vector<1xf32>
    %reduce_sum3A_4 = vector.shape_cast %reduce_sum3A_3 : vector<1xf32> to vector<1x1x1xf32>
    %reduce_sum3A_5 = vector.extract %reduce_sum3A_4[0, 0, 0] : f32 from vector<1x1x1xf32>
    %mul3A = arith.constant 3.05175781E-5 : f32
    %mul3A_6 = arith.mulf %reduce_sum3A_5, %mul3A : f32
    %swap3A = arith.constant 0 : index
    %swap3A_7 = arith.constant 0 : index
    %swap3A_8 = memref.load %arg1[%swap3A, %swap3A_7] : memref<1x1xf32, #tpu.memory_space<smem>>
    memref.store %mul3A_6, %arg1[%swap3A, %swap3A_7] : memref<1x1xf32, #tpu.memory_space<smem>>
    return
  }
}

</mosaic_0001>

<sc_bundles>
// kernel: kernel.4.cloned.1.call-start
scs
__scs_entry_jumppad:
0x0: {  	(pc) =	sbr.rel $0x88, $3  }
0x1: {  	(tag) =	ssettag $0x0;
	lr =	simm.s32 $0x1  }
0x2: {  	[smem:$0x3F9E] =	sst lr;
	_ =	strace $0xD0000000  }
0x3: {  	_ = 	snop  }
0x4: {  	_ = 	snop  }
0x5: {  	_ = 	snop  }
0x6: {  	_ = 	snop  }
0x7: {  	_ = 	snop  }
__scs_overlays_trampoline_lowered:
0x8: {  	[smem:$0x3FAD] =	sst s0  }
0x9: {  	[smem:$0x3FAE] =	sst s1  }
0xa: {  	[smem:$0x3FAF] =	sst s2  }
0xb: {  	[smem:$0x3FB0] =	sst s3  }
0xc: {  	[smem:$0x3FB1] =	sst s4  }
0xd: {  	[smem:$0x3FB2] =	sst s5  }
0xe: {  	[smem:$0x3FB3] =	sst s6  }
0xf: {  	[smem:$0x3FB4] =	sst s7  }
0x10: {  	[smem:$0x3FB5] =	sst s8  }
0x11: {  	[smem:$0x3FB6] =	sst s9;
	s0 =	simm.s32 @!p0 $0x0  }
0x12: {  	s1 =	sld [smem:$0x3F9C];
	s0 =	simm.s32 @p0 $0x1  }
0x13: {  	[smem:$0x3FB7] =	sst s0;
	s0 =	simm.s32 @!p1 $0x0  }
0x14: {  	s2 =	sld [smem:$0x3F9B];
	s0 =	simm.s32 @p1 $0x1  }
0x15: {  	[smem:$0x3FB8] =	sst s0;
	s0 =	simm.s32 @!p2 $0x0  }
0x16: {  	s3 =	sld [smem:$0x3FDB];
	s0 =	simm.s32 @p2 $0x1  }
0x17: {  	s4 =	simm.s32 $0x1BF5;
	[smem:$0x3FBA] =	sst s0  }
0x18: {  	s0 =	sld [smem:$0x3F9D];
	_ =	swait.ge [sflag:s4], $0x0  }
0x19: {  	s7 =	sld [smem:$0x3F9E]  }
0x1a: {  	s8 =	sadd.s32 $0xFFFFE003, lr  }
0x1b: {  	s9 =	sadd.s32 $0xFFFFFEF7, lr;
	s5 =	simm.s32 $0xFFFFFFFF;
	p2 =	slt.u32 s8, $0xFFFFF086  }
0x1c: {  	p1 =	slt.u32 s9, $0xF7A;
	s5 =	simm.s32 @!p2 $0x0  }
0x1d: {  	s5 =	simm.s32 @p1 $0x1;
	p0 =	seq.s32 s7, s2  }
0x1e: {  	s7 =	smul.u32 @!p0 $0xF7A, s2;
	p2 =	seq.s32 @!p0 s5, $0x0  }
0x1f: {  	s9 =	smul.u32 $0xF7A, s1;
	s8 =	simm.s32 @!p0 $0x1BF5;
	p2 =	por !p2, p0  }
0x20: {  	[sflag:s8] =	ssyncset.s32 @!p0 $0xFFFFF086;
	s6 =	sadd.s32 @!p0 s3, s7;
	s7 =	simm.s32 @!p0 $0x108  }
0x21: {  	s3 =	sadd.s32 s3, s9;
	s6 =	sadd.s32 @!p0 $0x88, s6;
	s7 =	simm.s32 @p2 $0x1082  }
0x22: {  	[simem:s7], [sflag:s8] =	dma.local @!p0 [hbm:s6], $0xF7A  }
0x23: {  	s9 =	sor.u32 $0xD0000000, s2;
	s6 =	simm.s32 $0x108;
	_ =	swait.ge @!p0 [sflag:s8], $0x0  }
0x24: {  	s3 =	sadd.s32 $0x88, s3;
	s6 =	simm.s32 @!p1 $0x1082;
	[sflag:s4] =	ssyncset.s32 $0xFFFFF086  }
0x25: {  	[simem:s6], [sflag:s4] =	dma.local [hbm:s3], $0xF7A  }
0x26: {  	[smem:$0x3F9E] =	sst s1;
	(tag) =	ssettag s2;
	_ =	strace s9  }
0x27: {  	s1 =	sld [smem:$0x3FAE]  }
0x28: {  	s2 =	sld [smem:$0x3FAF]  }
0x29: {  	s4 =	sld [smem:$0x3FB1]  }
0x2a: {  	p0 =	seq.s32 s5, $0x0;
	s5 =	sld [smem:$0x3FB2]  }
0x2b: {  	s6 =	sld [smem:$0x3FB3]  }
0x2c: {  	s7 =	sld [smem:$0x3FB4]  }
0x2d: {  	s3 =	simm.s32 $0x108;
	s8 =	sld [smem:$0x3FB5]  }
0x2e: {  	s3 =	simm.s32 @!p0 $0x1082;
	s9 =	sld [smem:$0x3FB6]  }
0x2f: {  	lr =	sadd.s32 s0, s3;
	s0 =	sld [smem:$0x3FAD]  }
0x30: {  	s3 =	sld [smem:$0x3FB0]  }
0x31: {  	[smem:$0x3FB9] =	sst s10  }
0x32: {  	s10 =	sld [smem:$0x3FB7];
	_ =	sdelay $0x3  }
0x33: {  	p0 =	seq.s32 s10, $0x1;
	s10 =	sld [smem:$0x3FB9];
	_ =	sdelay $0x3  }
0x34: {  	[smem:$0x3FB9] =	sst s10  }
0x35: {  	s10 =	sld [smem:$0x3FB8];
	_ =	sdelay $0x3  }
0x36: {  	p1 =	seq.s32 s10, $0x1;
	s10 =	sld [smem:$0x3FB9];
	_ =	sdelay $0x3  }
0x37: {  	[smem:$0x3FB9] =	sst s10  }
0x38: {  	s10 =	sld [smem:$0x3FBA]  }
0x39: {  	_ = 	snop;
	(pc) =	sbr.ind lr, $3  }
0x3a: {  	_ = 	snop  }
0x3b: {  	_ = 	snop  }
0x3c: {  	p2 =	seq.s32 s10, $0x1;
	s10 =	sld [smem:$0x3FB9]  }
0x3d: {  	_ =	shalt  }
0x3e: {  	_ =	shalt  }
0x3f: {  	_ =	shalt  }
0x40: {  	_ =	shalt  }
0x41: {  	_ =	shalt  }
0x42: {  	_ =	shalt  }
0x43: {  	_ =	shalt  }
0x44: {  	_ =	shalt  }
0x45: {  	_ =	shalt  }
0x46: {  	_ =	shalt  }
0x47: {  	_ =	shalt  }
0x48: {  	_ =	shalt  }
0x49: {  	_ =	shalt  }
0x4a: {  	_ =	shalt  }
0x4b: {  	_ =	shalt  }
0x4c: {  	_ =	shalt  }
0x4d: {  	_ =	shalt  }
0x4e: {  	_ =	shalt  }
0x4f: {  	_ =	shalt  }
0x50: {  	_ =	shalt  }
0x51: {  	_ =	shalt  }
0x52: {  	_ =	shalt  }
0x53: {  	_ =	shalt  }
0x54: {  	_ =	shalt  }
0x55: {  	_ =	shalt  }
0x56: {  	_ =	shalt  }
0x57: {  	_ =	shalt  }
0x58: {  	_ =	shalt  }
0x59: {  	_ =	shalt  }
0x5a: {  	_ =	shalt  }
0x5b: {  	_ =	shalt  }
0x5c: {  	_ =	shalt  }
0x5d: {  	_ =	shalt  }
0x5e: {  	_ =	shalt  }
0x5f: {  	_ =	shalt  }
0x60: {  	_ =	shalt  }
0x61: {  	_ =	shalt  }
0x62: {  	_ =	shalt  }
0x63: {  	_ =	shalt  }
0x64: {  	_ =	shalt  }
0x65: {  	_ =	shalt  }
0x66: {  	_ =	shalt  }
0x67: {  	_ =	shalt  }
0x68: {  	_ =	shalt  }
0x69: {  	_ =	shalt  }
0x6a: {  	_ =	shalt  }
0x6b: {  	_ =	shalt  }
0x6c: {  	_ =	shalt  }
0x6d: {  	_ =	shalt  }
0x6e: {  	_ =	shalt  }
0x6f: {  	_ =	shalt  }
0x70: {  	_ =	shalt  }
0x71: {  	_ =	shalt  }
0x72: {  	_ =	shalt  }
0x73: {  	_ =	shalt  }
0x74: {  	_ =	shalt  }
0x75: {  	_ =	shalt  }
0x76: {  	_ =	shalt  }
0x77: {  	_ =	shalt  }
0x78: {  	_ =	shalt  }
0x79: {  	_ =	shalt  }
0x7a: {  	_ =	shalt  }
0x7b: {  	_ =	shalt  }
0x7c: {  	_ =	shalt  }
0x7d: {  	_ =	shalt  }
0x7e: {  	_ =	shalt  }
0x7f: {  	_ =	shalt  }
0x80: {  	_ =	shalt  }
0x81: {  	_ =	shalt  }
0x82: {  	_ =	shalt  }
0x83: {  	_ =	shalt  }
0x84: {  	_ =	shalt  }
0x85: {  	_ =	shalt  }
0x86: {  	_ =	shalt  }
0x87: {  	_ =	shalt  }
.Lfunc_end0:
.L_simem_size_0:
called_computation_lowered:
.L_overlay_start_0:
0x88: {  	s2 =	sld [smem:$0x3FD9]  }
0x89: {  	s3 =	sld [smem:$0x3FFE];
	_ =	sdelay $0x1  }
0x8a: {  	s1 =	srdreg.scid  }
0x8b: {  	s0 =	sand.u32 $0x1, s1  }
0x8c: {  	s17 =	sshll.u32 s0, $0xA;
	s2 =	sadd.s32 s3, s2  }
0x8d: {  	s2 =	sadd.s32 s2, s17  }
0x8e: {  	[smem:$0x3FC5] =	sst s2  }
0x8f: {  	_ = 	snop  }
0x90: {  	s2 =	sld [smem:$0x3FC9]  }
0x91: {  	s18 =	sld [smem:$0x3FC8]  }
0x92: {  	s4 =	sld [smem:$0x3FC7];
	(tm) =	ssettm $0x1  }
0x93: {  	s5 =	sld [smem:$0x3FFB];
	_ =	sdelay $0x3  }
0x94: {  	_ =	strace s5  }
0x95: {  	s5 =	sld [smem:$0x3FFC];
	_ =	sdelay $0x3  }
0x96: {  	_ =	strace s5  }
0x97: {  	s5 =	sld [smem:$0x3FFD];
	_ =	sdelay $0x3  }
0x98: {  	_ =	strace s5  }
0x99: {  	_ =	strace $0x8FFFFFFF  }
0x9a: {  	s19 =	sld [smem:$0x3FDB];
	_ =	sdelay $0x1  }
0x9b: {  	s6 =	simm.s32 $_scs_section_size  }
0x9c: {  	s7 =	simm.s32 $_size__tile_overlayer_lowered;
	s8 =	simm.s32 $_tile_overlayer_lowered  }
0x9d: {  	s22 =	simm.s32 $0x1BFF;
	s21 =	sshll.u32 s8, $0x1;
	s5 =	sadd.s32 s6, s19  }
0x9e: {  	s9 =	simm.s32 $0x0;
	s20 =	sshll.u32 s7, $0x1;
	s7 =	sadd.s32 s21, s5  }
0x9f: {  	[timem:s9], [sflag:s22] =	dma.local [hbm:s7], s20  }
0xa0: {  	_ =	swait.ge [sflag:s22], s20  }
0xa1: {  	s6 =	ssub.s32 $0x0, s20;
	[sflag:s22] =	ssyncset.done $0x0  }
0xa2: {  	[sflag:s22] =	ssyncadd.s32 s6;
	_ =	sdelay $0x1  }
0xa3: {  	s23 =	simm.s32 $0x1B8B  }
0xa4: {  	_ =	swait.ge [sflag:s23], $0x1  }
0xa5: {  	[sflag:s23] =	ssyncset.done $0x0  }
0xa6: {  	s25 =	simm.s32 $0x1B8E;
	s24 =	sld [smem:$0x3FFE];
	[sflag:s23] =	ssyncadd.s32 $0xFFFFFFFF  }
0xa7: {  	s26 =	simm.s32 $execute0_lowered;
	[smem:$0x3FD2] =	sst s25  }
0xa8: {  	s7 =	sshll.u32 s26, $0x1;
	_ =	strace $0x80000046;
	[dreg:$0x1] =	wrdreg $0xFFFFFFFF  }
0xa9: {  	s28 =	simm.s32 $_size_execute0_lowered;
	s5 =	sadd.s32 s5, s7;
	[dreg:$0x0] =	wrdreg $0x0  }
0xaa: {  	s7 =	sshll.u32 s28, $0x1;
	[dreg:$0x2] =	wrdreg s5  }
0xab: {  	[dreg:$0x3] =	wrdreg s7  }
0xac: {  	[dreg:$0x4] =	wrdreg $0xC0  }
0xad: {  	_ =	task [dreg:s9], $0x5FFFF  }
0xae: {  	[dreg:$0x1] =	wrdreg $0xFFFFFFFF  }
0xaf: {  	[dreg:$0x0] =	wrdreg $0x60  }
0xb0: {  	[dreg:$0x2] =	wrdreg s2  }
0xb1: {  	[dreg:$0x3] =	wrdreg s18  }
0xb2: {  	[dreg:$0x4] =	wrdreg s4  }
0xb3: {  	[dreg:$0x5] =	wrdreg s24  }
0xb4: {  	[dreg:$0x6] =	wrdreg $0x9  }
0xb5: {  	_ =	task.clear_ibuf [dreg:s9], $0x7FFFF;
	_ =	strace $0x90000046  }
0xb6: {  	s29 =	simm.s32 $0x9;
	_ =	strace $0x80000048  }
0xb7: {  	_ =	swait.ge [sflag:s29], $0x1  }
0xb8: {  	[sflag:s29] =	ssyncadd.s32 $0xFFFFFFFF  }
0xb9: {  	_ =	strace $0x90000048  }
0xba: {  	_ =	sfence  }
0xbb: {  	s30 =	sld [smem:$0x0];
	_ =	sdelay $0x2  }
0xbc: {  	s31 =	sshll.u32 s1, $0xD;
	s1 =	sshrl.u32 s1, $0x2  }
0xbd: {  	s3 =	sand.u32 $0x4000, s31;
	s1 =	sadd.s32 s1, s30  }
0xbe: {  	s0 =	sor.u32 s3, s0;
	s1 =	sshll.u32 s1, $0x11  }
0xbf: {  	s0 =	sor.u32 s1, s0  }
0xc0: {  	s0 =	sadd.s32 $0x8F2B, s0  }
0xc1: {  	[sflag:s0] =	ssyncadd.remote.s32 $0x1  }
0xc2: {  	_ =	sfence.sel $0xFFFF  }
0xc3: {  	[dreg:$0x0] =	wrdreg $0xFFFFFFFF;
	(pc) =	sbr.abs _section_cstart, $3  }
0xc4: {  	[dreg:$0x1] =	wrdreg $0xFFFFFFFF  }
0xc5: {  	_ =	task.clear_ibuf [dreg:s9], $0x2FFFF;
	_ =	strace $0x9FFFFFFF  }
0xc6: {  	(tm) =	ssettm $0x7FFFFFFF  }
0xc7: {  	_ =	shalt  }
tec
execute0_lowered:
.L_overlay_start_1:
0x0: {  	(tag) =	ssettag $0x1  }
0x1: {  	s10 =	rddreg [dreg:$0x0]  }
0x2: {  	s2 =	rddreg [dreg:$0x1]  }
0x3: {  	s9 =	rddreg [dreg:$0x2]  }
0x4: {  	s4 =	rddreg [dreg:$0x3]  }
0x5: {  	s3 =	srdreg.scid;
	s1 =	stileid.u32  }
0x6: {  	s0 =	rddreg [dreg:$0x4];
	s19 =	simm.s32 $0x2;
	s20 =	simm.s32 $0x1  }
0x7: {  	s21 =	simm.s32 $0x3;
	s22 =	simm.s32 $0x1E700;
	s5 =	sand.u32 $0x1, s3  }
0x8: {  	s23 =	sshll.u32 s1, $0x8;
	s6 =	sshrl.u32 s1, $0x2;
	s3 =	simm.s32 $0x0  }
0x9: {  	s13 =	sadd.s32 $0x1000, s10;
	s17 =	sadd.s32 $0x2000, s10;
	s18 =	sadd.s32 $0x3000, s10  }
0xa: {  	s7 =	sshll.u32 s5, $0x7;
	s8 =	sand.u32 $0x300, s23;
	s24 =	sshll.u32 s6, $0xA  }
0xb: {  	[smem:$0x7FF] =	sst s3;
	s11 =	smul.u32 $0xC3800, s6;
	s5 =	ssub.s32 $0x2, s5  }
0xc: {  	s29 =	sshll.u32 s6, $0x11;
	s30 =	sor.u32 $0x4, s6;
	s23 =	simm.s32 $0x4  }
0xd: {  	s8 =	sor.u32 s7, s8;
	_ =	strace $0x80000047;
	s25 =	sshrl.u32 s5, $0x1  }
0xe: {  	s16 =	smul.u32 $0xC3800, s30;
	s7 =	sor.u32 s24, s8;
	s26 =	sor.u32 s11, s8  }
0xf: {  	s15 =	ssub.s32 s5, s25;
	s5 =	sor.u32 s29, s8;
	s11 =	sshll.u32 s30, $0x11  }
0x10: {  	s24 =	simm.s32 $0x0;
	s7 =	sshrl.u32 s7, $0x3;
	s28 =	sshrl.u32 s26, $0x3  }
0x11: {  	s12 =	sshrl.u32 s5, $0x3;
	s16 =	sor.u32 s8, s16;
	s11 =	sor.u32 s8, s11  }
0x12: {  	s15 =	smax.u32 s15, $0x1;
	s14 =	sadd.s32 s7, s4;
	s4 =	sadd.s32 s9, s28  }
0x13: {  	s5 =	sadd.s32 s10, s12;
	s6 =	sadd.s32 s12, s13;
	s7 =	sadd.s32 s12, s17  }
0x14: {  	s16 =	sshrl.u32 s16, $0x3;
	s8 =	sadd.s32 s12, s18;
	s31 =	sshrl.u32 s11, $0x3  }
0x15: {  	s9 =	sadd.s32 s9, s16;
	s10 =	sadd.s32 s10, s31;
	s11 =	sadd.s32 s31, s13  }
0x16: {  	s12 =	sadd.s32 s31, s17;
	s13 =	sadd.s32 s31, s18;
	s14 =	sadd.s32 $0x600, s14  }
0x17: {  	s16 =	simm.s32 $0x80;
	s17 =	simm.s32 $0x400;
	s18 =	simm.s32 $0x18700  }
.LBB2_1:
0x18: {  	[tilespmem:s3], [sflag:$0x1] =	stream.strided.gather [hbm4b:s4+s16], $0x18700, s17, s16, $0x38;
	[tilespmem:$0x1E780] =	vst v63  }
0x19: {  	_ = 	snop  }
0x1a: {  	[tilespmem:s18], [sflag:$0x2] =	stream.linear.gather [hbm4b:s2+s3], $0x4000, $0x38;
	[tilespmem:$0x1E780] =	vst v63  }
0x1b: {  	_ =	swait.ge [sflag:s19], $0x4000  }
0x1c: {  	s25 =	simm.s32 $0x1C700;
	s26 =	simm.s32 $0x80;
	[sflag:s19] =	ssyncset.done $0x0  }
0x1d: {  	s29 =	sadd.s32 $0x0, s5;
	s28 =	simm.s32 $0x1C800;
	[sflag:s19] =	ssyncadd.s32 $0xFFFFC000  }
.LBB2_2:
0x1e: {  	[tilespmem:s25], [sflag:$0x2] =	stream.linear.gather [hbm4b:s29+s3], $0x80, $0x38;
	[tilespmem:$0x1E780] =	vst v63  }
0x1f: {  	s29 =	smov.u32 s26;
	s25 =	smov.u32 s28;
	p0 =	sne.s32 s26, $0xF80  }
.Ltmp0:
0x20: {  	s26 =	sadd.s32 $0x80, s26;
	(pc) =	sbr.rel @p0 .LBB2_2-.Ltmp0, $2  }
0x21: {  	_ =	sdelay $0x2  }
0x22: {  	s28 =	sadd.s32 $0x100, s28;
	s29 =	sadd.s32 s29, s5  }
0x23: {  	[tilespmem:s25], [sflag:$0x2] =	stream.linear.gather [hbm4b:s29+s3], $0x80, $0x38;
	[tilespmem:$0x1E780] =	vst v63  }
0x24: {  	_ =	swait.ge [sflag:s20], $0x18700  }
0x25: {  	s25 =	simm.s32 $0x1C780;
	s26 =	simm.s32 $0x80;
	[sflag:s20] =	ssyncset.done $0x0  }
0x26: {  	s29 =	sadd.s32 $0x0, s6;
	s28 =	simm.s32 $0x1C880;
	[sflag:s20] =	ssyncadd.s32 $0xFFFE7900  }
.LBB2_4:
0x27: {  	[tilespmem:s25], [sflag:$0x3] =	stream.linear.gather [hbm4b:s29+s3], $0x80, $0x38;
	[tilespmem:$0x1E780] =	vst v63  }
0x28: {  	s29 =	smov.u32 s26;
	s25 =	smov.u32 s28;
	p0 =	sne.s32 s26, $0xF80  }
.Ltmp1:
0x29: {  	s26 =	sadd.s32 $0x80, s26;
	(pc) =	sbr.rel @p0 .LBB2_4-.Ltmp1, $2  }
0x2a: {  	_ =	sdelay $0x2  }
0x2b: {  	s28 =	sadd.s32 $0x100, s28;
	s29 =	sadd.s32 s29, s6  }
0x2c: {  	[tilespmem:s25], [sflag:$0x3] =	stream.linear.gather [hbm4b:s29+s3], $0x80, $0x38;
	[tilespmem:$0x1E780] =	vst v63  }
0x2d: {  	_ =	swait.ge [sflag:s19], $0x1000  }
0x2e: {  	[sflag:s19] =	ssyncset.done $0x0  }
0x2f: {  	s25 =	simm.s32 $0x0;
	[sflag:s19] =	ssyncadd.s32 $0xFFFFF000  }
0x30: {  	v1 =	vld [tilespmem:s25+$0x1C740]  }
0x31: {  	v0 =	vld [tilespmem:s25+$0x1C750]  }
0x32: {  	v6 =	vld [tilespmem:s25+$0x1C760]  }
0x33: {  	v7 =	vld [tilespmem:s25+$0x1C700]  }
0x34: {  	v8 =	vld [tilespmem:s25+$0x1C710]  }
0x35: {  	v9 =	vld [tilespmem:s25+$0x1C720]  }
0x36: {  	s26 =	simm.s32 $0x18740;
	v10 =	vld [tilespmem:s25+$0x1C730]  }
0x37: {  	v11 =	vld [tilespmem:s26+$0x0]  }
0x38: {  	v12 =	vld [tilespmem:s26+$0x10]  }
0x39: {  	v13 =	vld [tilespmem:s26+$0xFFFFFFC0]  }
0x3a: {  	v14 =	vld [tilespmem:s26+$0xFFFFFFD0]  }
0x3b: {  	v2 =	vimm.f32 $0.0e+00;
	v15 =	vld [tilespmem:s26+$0xFFFFFFE0]  }
0x3c: {  	s28 =	simm.s32 $0x400;
	v5 =	vimm.f32 $0.0e+00;
	v3 =	vimm.f32 $0.0e+00;
	v4 =	vimm.f32 $0.0e+00;
	v16 =	vld [tilespmem:s26+$0xFFFFFFF0]  }
.LBB2_6:
0x3d: {  	p0 =	sne.s32 s28, $0x7C00;
	v17 =	vld [tilespmem:s26+$0x20]  }
0x3e: {  	v18 =	vld [tilespmem:s26+$0x30]  }
0x3f: {  	v11 =	vld.idx.msk [tilespmem:v11+s3+$0x0], $0xffff  }
0x40: {  	v12 =	vld.idx.msk [tilespmem:v12+s3+$0x0], $0xffff  }
0x41: {  	v13 =	vld.idx.msk [tilespmem:v13+s3+$0x0], $0xffff  }
0x42: {  	v14 =	vld.idx.msk [tilespmem:v14+s3+$0x0], $0xffff  }
0x43: {  	v15 =	vld.idx.msk [tilespmem:v15+s3+$0x0], $0xffff  }
0x44: {  	v16 =	vld.idx.msk [tilespmem:v16+s3+$0x0], $0xffff  }
0x45: {  	v17 =	vld.idx.msk [tilespmem:v17+s3+$0x0], $0xffff  }
0x46: {  	v18 =	vld.idx.msk [tilespmem:v18+s3+$0x0], $0xffff  }
0x47: {  	v11 =	vsub.f32 v1, v11;
	v19 =	vld [tilespmem:s25+$0x1C770];
	s25 =	sshra.s32 s28, $0x2  }
0x48: {  	v13 =	vsub.f32 v7, v13;
	v7 =	vsub.f32 v0, v12;
	v1 =	vld [tilespmem:s25+$0x1C740]  }
0x49: {  	v8 =	vsub.f32 v8, v14;
	v9 =	vsub.f32 v9, v15;
	v0 =	vld [tilespmem:s25+$0x1C750]  }
0x4a: {  	v14 =	vmul.f32 v11, v11;
	v15 =	vmul.f32 v7, v7;
	v10 =	vsub.f32 v10, v16;
	v12 =	vld [tilespmem:s25+$0x1C760]  }
0x4b: {  	v11 =	vmul.f32 v13, v13;
	v13 =	vmul.f32 v8, v8;
	v6 =	vsub.f32 v6, v17;
	v7 =	vld [tilespmem:s25+$0x1C700]  }
0x4c: {  	v16 =	vmul.f32 v9, v9;
	v17 =	vmul.f32 v10, v10;
	v8 =	vld [tilespmem:s25+$0x1C710];
	v18 =	vsub.f32 v19, v18  }
0x4d: {  	v2 =	vadd.f32 v11, v2;
	v5 =	vadd.f32 v13, v5;
	v13 =	vmul.f32 v6, v6;
	v9 =	vld [tilespmem:s25+$0x1C720]  }
0x4e: {  	s26 =	sadd.s32 $0x80, s26;
	v3 =	vadd.f32 v16, v3;
	v4 =	vadd.f32 v17, v4;
	v10 =	vld [tilespmem:s25+$0x1C730];
	v16 =	vmul.f32 v18, v18  }
0x4f: {  	v2 =	vadd.f32 v14, v2;
	v5 =	vadd.f32 v15, v5;
	v11 =	vld [tilespmem:s26+$0x0];
	v6 =	vmov v12  }
.Ltmp2:
0x50: {  	v3 =	vadd.f32 v13, v3;
	v12 =	vld [tilespmem:s26+$0x10];
	v4 =	vadd.f32 v16, v4;
	(pc) =	sbr.rel @p0 .LBB2_6-.Ltmp2, $4  }
0x51: {  	v13 =	vld [tilespmem:s26+$0xFFFFFFC0]  }
0x52: {  	v14 =	vld [tilespmem:s26+$0xFFFFFFD0]  }
0x53: {  	v15 =	vld [tilespmem:s26+$0xFFFFFFE0]  }
0x54: {  	s28 =	sadd.s32 $0x400, s28;
	v16 =	vld [tilespmem:s26+$0xFFFFFFF0]  }
0x55: {  	_ =	sdelay $0x1  }
0x56: {  	v17 =	vld [tilespmem:s26+$0x20]  }
0x57: {  	v18 =	vld [tilespmem:s26+$0x30]  }
0x58: {  	v11 =	vld.idx.msk [tilespmem:v11+s3+$0x0], $0xffff  }
0x59: {  	v12 =	vld.idx.msk [tilespmem:v12+s3+$0x0], $0xffff  }
0x5a: {  	v61 =	vld [tilespmem:s25+$0x1C770]  }
0x5b: {  	v13 =	vld.idx.msk [tilespmem:v13+s3+$0x0], $0xffff  }
0x5c: {  	v14 =	vld.idx.msk [tilespmem:v14+s3+$0x0], $0xffff  }
0x5d: {  	v15 =	vld.idx.msk [tilespmem:v15+s3+$0x0], $0xffff  }
0x5e: {  	v16 =	vld.idx.msk [tilespmem:v16+s3+$0x0], $0xffff  }
0x5f: {  	v17 =	vld.idx.msk [tilespmem:v17+s3+$0x0], $0xffff  }
0x60: {  	v7 =	vsub.f32 v7, v13;
	v18 =	vld.idx.msk [tilespmem:v18+s3+$0x0], $0xffff  }
0x61: {  	v1 =	vsub.f32 v1, v11  }
0x62: {  	v8 =	vsub.f32 v8, v14;
	v9 =	vsub.f32 v9, v15;
	v7 =	vmul.f32 v7, v7  }
0x63: {  	v0 =	vsub.f32 v0, v12;
	v1 =	vmul.f32 v1, v1;
	v10 =	vsub.f32 v10, v16  }
0x64: {  	v8 =	vmul.f32 v8, v8;
	v9 =	vmul.f32 v9, v9;
	v2 =	vadd.f32 v7, v2  }
0x65: {  	v10 =	vmul.f32 v10, v10;
	v6 =	vsub.f32 v6, v17;
	v11 =	vsub.f32 v61, v18  }
0x66: {  	v0 =	vmul.f32 v0, v0;
	v5 =	vadd.f32 v8, v5;
	v62 =	vadd.f32 v9, v3  }
0x67: {  	v4 =	vadd.f32 v10, v4;
	v6 =	vmul.f32 v6, v6;
	v63 =	vmul.f32 v11, v11  }
0x68: {  	s25 =	simm.s32 $0x1C700;
	v2 =	vadd.f32 v1, v2;
	v3 =	vadd.f32 v0, v5  }
0x69: {  	s26 =	simm.s32 $0x80;
	s29 =	sadd.s32 $0x0, s7;
	s28 =	simm.s32 $0x1C800;
	v0 =	vadd.f32 v6, v62;
	v1 =	vadd.f32 v63, v4  }
.LBB2_8:
0x6a: {  	[tilespmem:s25], [sflag:$0x2] =	stream.linear.gather [hbm4b:s29+s3], $0x80, $0x38;
	[tilespmem:$0x1E780] =	vst v63  }
0x6b: {  	s29 =	smov.u32 s26;
	s25 =	smov.u32 s28;
	p0 =	sne.s32 s26, $0xF80  }
.Ltmp3:
0x6c: {  	s26 =	sadd.s32 $0x80, s26;
	(pc) =	sbr.rel @p0 .LBB2_8-.Ltmp3, $2  }
0x6d: {  	_ =	sdelay $0x2  }
0x6e: {  	s28 =	sadd.s32 $0x100, s28;
	s29 =	sadd.s32 s29, s7  }
0x6f: {  	[tilespmem:s25], [sflag:$0x2] =	stream.linear.gather [hbm4b:s29+s3], $0x80, $0x38;
	[tilespmem:$0x1E780] =	vst v63  }
0x70: {  	_ =	swait.ge [sflag:s21], $0x1000  }
0x71: {  	[sflag:s21] =	ssyncset.done $0x0  }
0x72: {  	s25 =	simm.s32 $0x1C7F0;
	[sflag:s21] =	ssyncadd.s32 $0xFFFFF000  }
0x73: {  	v5 =	vld [tilespmem:s25+$0xFFFFFFD0]  }
0x74: {  	v4 =	vld [tilespmem:s25+$0xFFFFFFE0]  }
0x75: {  	v6 =	vld [tilespmem:s25+$0xFFFFFFF0]  }
0x76: {  	v7 =	vld [tilespmem:s25+$0xFFFFFF90]  }
0x77: {  	v8 =	vld [tilespmem:s25+$0xFFFFFFA0]  }
0x78: {  	v9 =	vld [tilespmem:s25+$0xFFFFFFB0]  }
0x79: {  	s28 =	simm.s32 $0x0;
	v10 =	vld [tilespmem:s25+$0xFFFFFFC0]  }
0x7a: {  	v11 =	vld [tilespmem:s28+$0x19740]  }
0x7b: {  	v12 =	vld [tilespmem:s28+$0x19750]  }
0x7c: {  	v13 =	vld [tilespmem:s28+$0x19700]  }
0x7d: {  	v14 =	vld [tilespmem:s28+$0x19710]  }
0x7e: {  	s26 =	simm.s32 $0x200;
	v15 =	vld [tilespmem:s28+$0x19720]  }
.LBB2_10:
0x7f: {  	p0 =	sne.s32 s26, $0x3E00;
	v16 =	vld [tilespmem:s28+$0x19730]  }
0x80: {  	v17 =	vld [tilespmem:s28+$0x19760]  }
0x81: {  	v18 =	vld [tilespmem:s28+$0x19770]  }
0x82: {  	v11 =	vld.idx.msk [tilespmem:v11+s3+$0x0], $0xffff  }
0x83: {  	v12 =	vld.idx.msk [tilespmem:v12+s3+$0x0], $0xffff  }
0x84: {  	v13 =	vld.idx.msk [tilespmem:v13+s3+$0x0], $0xffff  }
0x85: {  	v14 =	vld.idx.msk [tilespmem:v14+s3+$0x0], $0xffff  }
0x86: {  	v15 =	vld.idx.msk [tilespmem:v15+s3+$0x0], $0xffff  }
0x87: {  	v16 =	vld.idx.msk [tilespmem:v16+s3+$0x0], $0xffff  }
0x88: {  	v17 =	vld.idx.msk [tilespmem:v17+s3+$0x0], $0xffff  }
0x89: {  	v18 =	vld.idx.msk [tilespmem:v18+s3+$0x0], $0xffff  }
0x8a: {  	v11 =	vsub.f32 v5, v11;
	v19 =	vld [tilespmem:s25+$0x0];
	s25 =	sadd.s32 $0x100, s25  }
0x8b: {  	v13 =	vsub.f32 v7, v13;
	v7 =	vsub.f32 v4, v12;
	v5 =	vld [tilespmem:s25+$0xFFFFFFD0]  }
0x8c: {  	v8 =	vsub.f32 v8, v14;
	v9 =	vsub.f32 v9, v15;
	v4 =	vld [tilespmem:s25+$0xFFFFFFE0]  }
0x8d: {  	v14 =	vmul.f32 v11, v11;
	v15 =	vmul.f32 v7, v7;
	v10 =	vsub.f32 v10, v16;
	v12 =	vld [tilespmem:s25+$0xFFFFFFF0]  }
0x8e: {  	v11 =	vmul.f32 v13, v13;
	v13 =	vmul.f32 v8, v8;
	v6 =	vsub.f32 v6, v17;
	v7 =	vld [tilespmem:s25+$0xFFFFFF90]  }
0x8f: {  	v16 =	vmul.f32 v9, v9;
	v17 =	vmul.f32 v10, v10;
	v8 =	vld [tilespmem:s25+$0xFFFFFFA0];
	v18 =	vsub.f32 v19, v18  }
0x90: {  	v2 =	vadd.f32 v11, v2;
	v3 =	vadd.f32 v13, v3;
	v13 =	vmul.f32 v6, v6;
	v9 =	vld [tilespmem:s25+$0xFFFFFFB0]  }
0x91: {  	s28 =	sshra.s32 s26, $0x2;
	v0 =	vadd.f32 v16, v0;
	v1 =	vadd.f32 v17, v1;
	v10 =	vld [tilespmem:s25+$0xFFFFFFC0];
	v16 =	vmul.f32 v18, v18  }
.Ltmp4:
0x92: {  	v2 =	vadd.f32 v14, v2;
	v3 =	vadd.f32 v15, v3;
	v11 =	vld [tilespmem:s28+$0x19740];
	v6 =	vmov v12;
	(pc) =	sbr.rel @p0 .LBB2_10-.Ltmp4, $4  }
0x93: {  	v0 =	vadd.f32 v13, v0;
	v12 =	vld [tilespmem:s28+$0x19750];
	v1 =	vadd.f32 v16, v1  }
0x94: {  	v13 =	vld [tilespmem:s28+$0x19700]  }
0x95: {  	v14 =	vld [tilespmem:s28+$0x19710]  }
0x96: {  	s26 =	sadd.s32 $0x200, s26;
	v15 =	vld [tilespmem:s28+$0x19720]  }
0x97: {  	_ = 	snop  }
0x98: {  	v16 =	vld [tilespmem:s28+$0x19730]  }
0x99: {  	v17 =	vld [tilespmem:s28+$0x19760]  }
0x9a: {  	v18 =	vld [tilespmem:s28+$0x19770]  }
0x9b: {  	v11 =	vld.idx.msk [tilespmem:v11+s3+$0x0], $0xffff  }
0x9c: {  	v61 =	vld [tilespmem:s25+$0x0]  }
0x9d: {  	v12 =	vld.idx.msk [tilespmem:v12+s3+$0x0], $0xffff  }
0x9e: {  	v13 =	vld.idx.msk [tilespmem:v13+s3+$0x0], $0xffff  }
0x9f: {  	v14 =	vld.idx.msk [tilespmem:v14+s3+$0x0], $0xffff  }
0xa0: {  	v15 =	vld.idx.msk [tilespmem:v15+s3+$0x0], $0xffff  }
0xa1: {  	v16 =	vld.idx.msk [tilespmem:v16+s3+$0x0], $0xffff  }
0xa2: {  	v17 =	vld.idx.msk [tilespmem:v17+s3+$0x0], $0xffff  }
0xa3: {  	v7 =	vsub.f32 v7, v13;
	v18 =	vld.idx.msk [tilespmem:v18+s3+$0x0], $0xffff  }
0xa4: {  	v5 =	vsub.f32 v5, v11  }
0xa5: {  	v8 =	vsub.f32 v8, v14;
	v9 =	vsub.f32 v9, v15;
	v7 =	vmul.f32 v7, v7  }
0xa6: {  	v4 =	vsub.f32 v4, v12;
	v5 =	vmul.f32 v5, v5;
	v10 =	vsub.f32 v10, v16  }
0xa7: {  	v8 =	vmul.f32 v8, v8;
	v9 =	vmul.f32 v9, v9;
	v2 =	vadd.f32 v7, v2  }
0xa8: {  	v6 =	vsub.f32 v6, v17;
	v11 =	vsub.f32 v61, v18;
	v10 =	vmul.f32 v10, v10  }
0xa9: {  	v4 =	vmul.f32 v4, v4;
	v62 =	vadd.f32 v8, v3;
	v0 =	vadd.f32 v9, v0  }
0xaa: {  	v6 =	vmul.f32 v6, v6;
	v63 =	vmul.f32 v11, v11;
	v1 =	vadd.f32 v10, v1  }
0xab: {  	s25 =	simm.s32 $0x1C780;
	v3 =	vadd.f32 v5, v2;
	v2 =	vadd.f32 v4, v62  }
0xac: {  	s26 =	simm.s32 $0x80;
	s29 =	sadd.s32 $0x0, s8;
	s28 =	simm.s32 $0x1C880;
	v0 =	vadd.f32 v6, v0;
	v1 =	vadd.f32 v63, v1  }
.LBB2_12:
0xad: {  	[tilespmem:s25], [sflag:$0x3] =	stream.linear.gather [hbm4b:s29+s3], $0x80, $0x38;
	[tilespmem:$0x1E780] =	vst v63  }
0xae: {  	s29 =	smov.u32 s26;
	s25 =	smov.u32 s28;
	p0 =	sne.s32 s26, $0xF80  }
.Ltmp5:
0xaf: {  	s26 =	sadd.s32 $0x80, s26;
	(pc) =	sbr.rel @p0 .LBB2_12-.Ltmp5, $2  }
0xb0: {  	_ =	sdelay $0x2  }
0xb1: {  	s28 =	sadd.s32 $0x100, s28;
	s29 =	sadd.s32 s29, s8  }
0xb2: {  	[tilespmem:s25], [sflag:$0x3] =	stream.linear.gather [hbm4b:s29+s3], $0x80, $0x38;
	[tilespmem:$0x1E780] =	vst v63  }
0xb3: {  	_ =	swait.ge [sflag:s19], $0x1000  }
0xb4: {  	[sflag:s19] =	ssyncset.done $0x0  }
0xb5: {  	s25 =	simm.s32 $0x1C740;
	[sflag:s19] =	ssyncadd.s32 $0xFFFFF000  }
0xb6: {  	v6 =	vld [tilespmem:s25+$0x0]  }
0xb7: {  	v7 =	vld [tilespmem:s25+$0x10]  }
0xb8: {  	v9 =	vld [tilespmem:s25+$0x20]  }
0xb9: {  	v10 =	vld [tilespmem:s25+$0xFFFFFFC0]  }
0xba: {  	v8 =	vld [tilespmem:s25+$0xFFFFFFD0]  }
0xbb: {  	v11 =	vld [tilespmem:s25+$0xFFFFFFE0]  }
0xbc: {  	s28 =	simm.s32 $0x0;
	v12 =	vld [tilespmem:s25+$0xFFFFFFF0]  }
0xbd: {  	v4 =	vld [tilespmem:s28+$0x1A740]  }
0xbe: {  	v5 =	vld [tilespmem:s28+$0x1A750]  }
0xbf: {  	v13 =	vld [tilespmem:s28+$0x1A700]  }
0xc0: {  	v14 =	vld [tilespmem:s28+$0x1A710]  }
0xc1: {  	s26 =	simm.s32 $0x200;
	v15 =	vld [tilespmem:s28+$0x1A720]  }
.LBB2_14:
0xc2: {  	p0 =	sne.s32 s26, $0x3E00;
	v16 =	vld [tilespmem:s28+$0x1A730]  }
0xc3: {  	v17 =	vld [tilespmem:s28+$0x1A760]  }
0xc4: {  	v18 =	vld [tilespmem:s28+$0x1A770]  }
0xc5: {  	v4 =	vld.idx.msk [tilespmem:v4+s3+$0x0], $0xffff  }
0xc6: {  	v5 =	vld.idx.msk [tilespmem:v5+s3+$0x0], $0xffff  }
0xc7: {  	v13 =	vld.idx.msk [tilespmem:v13+s3+$0x0], $0xffff  }
0xc8: {  	v14 =	vld.idx.msk [tilespmem:v14+s3+$0x0], $0xffff  }
0xc9: {  	v15 =	vld.idx.msk [tilespmem:v15+s3+$0x0], $0xffff  }
0xca: {  	v16 =	vld.idx.msk [tilespmem:v16+s3+$0x0], $0xffff  }
0xcb: {  	v17 =	vld.idx.msk [tilespmem:v17+s3+$0x0], $0xffff  }
0xcc: {  	v18 =	vld.idx.msk [tilespmem:v18+s3+$0x0], $0xffff  }
0xcd: {  	v4 =	vsub.f32 v6, v4;
	v19 =	vld [tilespmem:s25+$0x30];
	s25 =	sadd.s32 $0x100, s25  }
0xce: {  	v5 =	vsub.f32 v7, v5;
	v13 =	vsub.f32 v10, v13;
	v6 =	vld [tilespmem:s25+$0x0]  }
0xcf: {  	v8 =	vsub.f32 v8, v14;
	v11 =	vsub.f32 v11, v15;
	v7 =	vld [tilespmem:s25+$0x10]  }
0xd0: {  	v5 =	vmul.f32 v5, v5;
	v15 =	vmul.f32 v4, v4;
	v12 =	vsub.f32 v12, v16;
	v14 =	vld [tilespmem:s25+$0x20]  }
0xd1: {  	v4 =	vmul.f32 v13, v13;
	v13 =	vmul.f32 v8, v8;
	v9 =	vsub.f32 v9, v17;
	v10 =	vld [tilespmem:s25+$0xFFFFFFC0]  }
0xd2: {  	v16 =	vmul.f32 v11, v11;
	v17 =	vmul.f32 v12, v12;
	v8 =	vld [tilespmem:s25+$0xFFFFFFD0];
	v18 =	vsub.f32 v19, v18  }
0xd3: {  	v3 =	vadd.f32 v4, v3;
	v2 =	vadd.f32 v13, v2;
	v13 =	vmul.f32 v9, v9;
	v11 =	vld [tilespmem:s25+$0xFFFFFFE0]  }
0xd4: {  	s28 =	sshra.s32 s26, $0x2;
	v0 =	vadd.f32 v16, v0;
	v1 =	vadd.f32 v17, v1;
	v12 =	vld [tilespmem:s25+$0xFFFFFFF0];
	v16 =	vmul.f32 v18, v18  }
.Ltmp6:
0xd5: {  	v3 =	vadd.f32 v15, v3;
	v2 =	vadd.f32 v5, v2;
	v4 =	vld [tilespmem:s28+$0x1A740];
	v9 =	vmov v14;
	(pc) =	sbr.rel @p0 .LBB2_14-.Ltmp6, $4  }
0xd6: {  	v0 =	vadd.f32 v13, v0;
	v5 =	vld [tilespmem:s28+$0x1A750];
	v1 =	vadd.f32 v16, v1  }
0xd7: {  	v13 =	vld [tilespmem:s28+$0x1A700]  }
0xd8: {  	v14 =	vld [tilespmem:s28+$0x1A710]  }
0xd9: {  	s26 =	sadd.s32 $0x200, s26;
	v15 =	vld [tilespmem:s28+$0x1A720]  }
0xda: {  	_ = 	snop  }
0xdb: {  	v16 =	vld [tilespmem:s28+$0x1A730]  }
0xdc: {  	v17 =	vld [tilespmem:s28+$0x1A760]  }
0xdd: {  	v18 =	vld [tilespmem:s28+$0x1A770]  }
0xde: {  	v19 =	vld.idx.msk [tilespmem:v4+s3+$0x0], $0xffff  }
0xdf: {  	v21 =	vld [tilespmem:s25+$0x30]  }
0xe0: {  	v20 =	vld.idx.msk [tilespmem:v5+s3+$0x0], $0xffff  }
0xe1: {  	v13 =	vld.idx.msk [tilespmem:v13+s3+$0x0], $0xffff  }
0xe2: {  	v14 =	vld.idx.msk [tilespmem:v14+s3+$0x0], $0xffff  }
0xe3: {  	v15 =	vld.idx.msk [tilespmem:v15+s3+$0x0], $0xffff  }
0xe4: {  	v16 =	vld.idx.msk [tilespmem:v16+s3+$0x0], $0xffff  }
0xe5: {  	v17 =	vld.idx.msk [tilespmem:v17+s3+$0x0], $0xffff  }
0xe6: {  	v18 =	vld.idx.msk [tilespmem:v18+s3+$0x0], $0xffff;
	_ =	swait.ge [sflag:s21], $0x1000  }
0xe7: {  	[sflag:s21] =	ssyncset.done $0x0  }
0xe8: {  	s25 =	simm.s32 $0x1C7F0;
	[sflag:s21] =	ssyncadd.s32 $0xFFFFF000  }
0xe9: {  	v5 =	vld [tilespmem:s25+$0xFFFFFFD0]  }
0xea: {  	v4 =	vld [tilespmem:s25+$0xFFFFFFE0]  }
0xeb: {  	v19 =	vsub.f32 v6, v19;
	v10 =	vsub.f32 v10, v13;
	v6 =	vld [tilespmem:s25+$0xFFFFFFF0]  }
0xec: {  	v13 =	vsub.f32 v7, v20;
	v14 =	vsub.f32 v8, v14;
	v7 =	vld [tilespmem:s25+$0xFFFFFF90]  }
0xed: {  	v11 =	vsub.f32 v11, v15;
	v15 =	vmul.f32 v10, v10;
	v8 =	vld [tilespmem:s25+$0xFFFFFFA0]  }
0xee: {  	s28 =	simm.s32 $0x0;
	v14 =	vmul.f32 v14, v14;
	v10 =	vld [tilespmem:s25+$0xFFFFFFC0];
	v12 =	vsub.f32 v12, v16  }
0xef: {  	v62 =	vmul.f32 v11, v11;
	v3 =	vadd.f32 v15, v3;
	v11 =	vld [tilespmem:s28+$0x1B740];
	v15 =	vmul.f32 v13, v13  }
0xf0: {  	v13 =	vld [tilespmem:s28+$0x1B700];
	v16 =	vsub.f32 v9, v17;
	v18 =	vsub.f32 v21, v18;
	v63 =	vmul.f32 v12, v12  }
0xf1: {  	v14 =	vadd.f32 v14, v2;
	v17 =	vmul.f32 v19, v19;
	v0 =	vadd.f32 v62, v0;
	v12 =	vld [tilespmem:s28+$0x1B750]  }
0xf2: {  	v9 =	vld [tilespmem:s25+$0xFFFFFFB0];
	v16 =	vmul.f32 v16, v16;
	v18 =	vmul.f32 v18, v18;
	v1 =	vadd.f32 v63, v1  }
0xf3: {  	v2 =	vadd.f32 v17, v3;
	v3 =	vadd.f32 v15, v14;
	v14 =	vld [tilespmem:s28+$0x1B710]  }
0xf4: {  	s26 =	simm.s32 $0x200;
	v15 =	vld [tilespmem:s28+$0x1B720];
	v0 =	vadd.f32 v16, v0;
	v1 =	vadd.f32 v18, v1  }
.LBB2_16:
0xf5: {  	p0 =	sne.s32 s26, $0x3E00;
	v16 =	vld [tilespmem:s28+$0x1B730]  }
0xf6: {  	v17 =	vld [tilespmem:s28+$0x1B760]  }
0xf7: {  	v18 =	vld [tilespmem:s28+$0x1B770]  }
0xf8: {  	v11 =	vld.idx.msk [tilespmem:v11+s3+$0x0], $0xffff  }
0xf9: {  	v12 =	vld.idx.msk [tilespmem:v12+s3+$0x0], $0xffff  }
0xfa: {  	v13 =	vld.idx.msk [tilespmem:v13+s3+$0x0], $0xffff  }
0xfb: {  	v14 =	vld.idx.msk [tilespmem:v14+s3+$0x0], $0xffff  }
0xfc: {  	v15 =	vld.idx.msk [tilespmem:v15+s3+$0x0], $0xffff  }
0xfd: {  	v16 =	vld.idx.msk [tilespmem:v16+s3+$0x0], $0xffff  }
0xfe: {  	v17 =	vld.idx.msk [tilespmem:v17+s3+$0x0], $0xffff  }
0xff: {  	v18 =	vld.idx.msk [tilespmem:v18+s3+$0x0], $0xffff  }
0x100: {  	v11 =	vsub.f32 v5, v11;
	v19 =	vld [tilespmem:s25+$0x0];
	s25 =	sadd.s32 $0x100, s25  }
0x101: {  	v13 =	vsub.f32 v7, v13;
	v7 =	vsub.f32 v4, v12;
	v5 =	vld [tilespmem:s25+$0xFFFFFFD0]  }
0x102: {  	v8 =	vsub.f32 v8, v14;
	v9 =	vsub.f32 v9, v15;
	v4 =	vld [tilespmem:s25+$0xFFFFFFE0]  }
0x103: {  	v14 =	vmul.f32 v11, v11;
	v15 =	vmul.f32 v7, v7;
	v10 =	vsub.f32 v10, v16;
	v12 =	vld [tilespmem:s25+$0xFFFFFFF0]  }
0x104: {  	v11 =	vmul.f32 v13, v13;
	v13 =	vmul.f32 v8, v8;
	v6 =	vsub.f32 v6, v17;
	v7 =	vld [tilespmem:s25+$0xFFFFFF90]  }
0x105: {  	v16 =	vmul.f32 v9, v9;
	v17 =	vmul.f32 v10, v10;
	v8 =	vld [tilespmem:s25+$0xFFFFFFA0];
	v18 =	vsub.f32 v19, v18  }
0x106: {  	v2 =	vadd.f32 v11, v2;
	v3 =	vadd.f32 v13, v3;
	v13 =	vmul.f32 v6, v6;
	v9 =	vld [tilespmem:s25+$0xFFFFFFB0]  }
0x107: {  	s28 =	sshra.s32 s26, $0x2;
	v0 =	vadd.f32 v16, v0;
	v1 =	vadd.f32 v17, v1;
	v10 =	vld [tilespmem:s25+$0xFFFFFFC0];
	v16 =	vmul.f32 v18, v18  }
.Ltmp7:
0x108: {  	v2 =	vadd.f32 v14, v2;
	v3 =	vadd.f32 v15, v3;
	v11 =	vld [tilespmem:s28+$0x1B740];
	v6 =	vmov v12;
	(pc) =	sbr.rel @p0 .LBB2_16-.Ltmp7, $4  }
0x109: {  	v0 =	vadd.f32 v13, v0;
	v12 =	vld [tilespmem:s28+$0x1B750];
	v1 =	vadd.f32 v16, v1  }
0x10a: {  	v13 =	vld [tilespmem:s28+$0x1B700]  }
0x10b: {  	v14 =	vld [tilespmem:s28+$0x1B710]  }
0x10c: {  	s26 =	sadd.s32 $0x200, s26;
	v15 =	vld [tilespmem:s28+$0x1B720]  }
0x10d: {  	_ = 	snop  }
0x10e: {  	v16 =	vld [tilespmem:s28+$0x1B730]  }
0x10f: {  	v17 =	vld [tilespmem:s28+$0x1B760]  }
0x110: {  	v18 =	vld [tilespmem:s28+$0x1B770]  }
0x111: {  	v11 =	vld.idx.msk [tilespmem:v11+s3+$0x0], $0xffff  }
0x112: {  	v60 =	vld [tilespmem:s25+$0x0]  }
0x113: {  	v12 =	vld.idx.msk [tilespmem:v12+s3+$0x0], $0xffff  }
0x114: {  	v13 =	vld.idx.msk [tilespmem:v13+s3+$0x0], $0xffff  }
0x115: {  	v14 =	vld.idx.msk [tilespmem:v14+s3+$0x0], $0xffff  }
0x116: {  	v15 =	vld.idx.msk [tilespmem:v15+s3+$0x0], $0xffff  }
0x117: {  	v16 =	vld.idx.msk [tilespmem:v16+s3+$0x0], $0xffff  }
0x118: {  	v17 =	vld.idx.msk [tilespmem:v17+s3+$0x0], $0xffff  }
0x119: {  	v7 =	vsub.f32 v7, v13;
	v18 =	vld.idx.msk [tilespmem:v18+s3+$0x0], $0xffff  }
0x11a: {  	v5 =	vsub.f32 v5, v11  }
0x11b: {  	v8 =	vsub.f32 v8, v14;
	v9 =	vsub.f32 v9, v15;
	v7 =	vmul.f32 v7, v7  }
0x11c: {  	v4 =	vsub.f32 v4, v12;
	v5 =	vmul.f32 v5, v5;
	v10 =	vsub.f32 v10, v16  }
0x11d: {  	v8 =	vmul.f32 v8, v8;
	v9 =	vmul.f32 v9, v9;
	v2 =	vadd.f32 v7, v2  }
0x11e: {  	v6 =	vsub.f32 v6, v17;
	v11 =	vsub.f32 v60, v18;
	v10 =	vmul.f32 v10, v10  }
0x11f: {  	v4 =	vmul.f32 v4, v4;
	v3 =	vadd.f32 v8, v3;
	v61 =	vadd.f32 v9, v0  }
0x120: {  	s31 =	simm.s32 $0x0;
	s25 =	simm.s32 $0x1C700;
	v6 =	vmul.f32 v6, v6;
	v63 =	vmul.f32 v11, v11;
	v62 =	vadd.f32 v10, v1  }
0x121: {  	s26 =	simm.s32 $0x80;
	s29 =	sadd.s32 $0x0, s10;
	s28 =	simm.s32 $0x1C800;
	v0 =	vadd.f32 v5, v2;
	v1 =	vadd.f32 v4, v3  }
0x122: {  	[tilespmem:s31], [sflag:$0x1] =	stream.strided.gather [hbm4b:s9+s16], $0x18700, s17, s16, $0x38;
	v2 =	vadd.f32 v6, v61;
	v3 =	vadd.f32 v63, v62;
	[tilespmem:$0x1E780] =	vst v63  }
.LBB2_18:
0x123: {  	[tilespmem:s25], [sflag:$0x2] =	stream.linear.gather [hbm4b:s29+s3], $0x80, $0x38;
	[tilespmem:$0x1E780] =	vst v63  }
0x124: {  	s29 =	smov.u32 s26;
	s25 =	smov.u32 s28;
	p0 =	sne.s32 s26, $0xF80  }
.Ltmp8:
0x125: {  	s26 =	sadd.s32 $0x80, s26;
	(pc) =	sbr.rel @p0 .LBB2_18-.Ltmp8, $2  }
0x126: {  	_ =	sdelay $0x2  }
0x127: {  	s28 =	sadd.s32 $0x100, s28;
	s29 =	sadd.s32 s29, s10  }
0x128: {  	[tilespmem:s25], [sflag:$0x2] =	stream.linear.gather [hbm4b:s29+s3], $0x80, $0x38;
	[tilespmem:$0x1E780] =	vst v63  }
0x129: {  	_ =	swait.ge [sflag:s20], $0x18700  }
0x12a: {  	s25 =	simm.s32 $0x1C780;
	s26 =	simm.s32 $0x80;
	[sflag:s20] =	ssyncset.done $0x0  }
0x12b: {  	s29 =	sadd.s32 $0x0, s11;
	s28 =	simm.s32 $0x1C880;
	[sflag:s20] =	ssyncadd.s32 $0xFFFE7900  }
.LBB2_20:
0x12c: {  	[tilespmem:s25], [sflag:$0x3] =	stream.linear.gather [hbm4b:s29+s3], $0x80, $0x38;
	[tilespmem:$0x1E780] =	vst v63  }
0x12d: {  	s29 =	smov.u32 s26;
	s25 =	smov.u32 s28;
	p0 =	sne.s32 s26, $0xF80  }
.Ltmp9:
0x12e: {  	s26 =	sadd.s32 $0x80, s26;
	(pc) =	sbr.rel @p0 .LBB2_20-.Ltmp9, $2  }
0x12f: {  	_ =	sdelay $0x2  }
0x130: {  	s28 =	sadd.s32 $0x100, s28;
	s29 =	sadd.s32 s29, s11  }
0x131: {  	[tilespmem:s25], [sflag:$0x3] =	stream.linear.gather [hbm4b:s29+s3], $0x80, $0x38;
	[tilespmem:$0x1E780] =	vst v63  }
0x132: {  	_ =	swait.ge [sflag:s19], $0x1000  }
0x133: {  	[sflag:s19] =	ssyncset.done $0x0  }
0x134: {  	s25 =	simm.s32 $0x0;
	[sflag:s19] =	ssyncadd.s32 $0xFFFFF000  }
0x135: {  	v5 =	vld [tilespmem:s25+$0x1C740]  }
0x136: {  	v4 =	vld [tilespmem:s25+$0x1C750]  }
0x137: {  	v6 =	vld [tilespmem:s25+$0x1C760]  }
0x138: {  	v7 =	vld [tilespmem:s25+$0x1C700]  }
0x139: {  	v8 =	vld [tilespmem:s25+$0x1C710]  }
0x13a: {  	v9 =	vld [tilespmem:s25+$0x1C720]  }
0x13b: {  	s26 =	simm.s32 $0x18740;
	v10 =	vld [tilespmem:s25+$0x1C730]  }
0x13c: {  	v11 =	vld [tilespmem:s26+$0x0]  }
0x13d: {  	v12 =	vld [tilespmem:s26+$0x10]  }
0x13e: {  	v13 =	vld [tilespmem:s26+$0xFFFFFFC0]  }
0x13f: {  	v14 =	vld [tilespmem:s26+$0xFFFFFFD0]  }
0x140: {  	v15 =	vld [tilespmem:s26+$0xFFFFFFE0]  }
0x141: {  	s28 =	simm.s32 $0x400;
	v16 =	vld [tilespmem:s26+$0xFFFFFFF0]  }
.LBB2_22:
0x142: {  	p0 =	sne.s32 s28, $0x7C00;
	v17 =	vld [tilespmem:s26+$0x20]  }
0x143: {  	v18 =	vld [tilespmem:s26+$0x30]  }
0x144: {  	v11 =	vld.idx.msk [tilespmem:v11+s3+$0x0], $0xffff  }
0x145: {  	v12 =	vld.idx.msk [tilespmem:v12+s3+$0x0], $0xffff  }
0x146: {  	v13 =	vld.idx.msk [tilespmem:v13+s3+$0x0], $0xffff  }
0x147: {  	v14 =	vld.idx.msk [tilespmem:v14+s3+$0x0], $0xffff  }
0x148: {  	v15 =	vld.idx.msk [tilespmem:v15+s3+$0x0], $0xffff  }
0x149: {  	v16 =	vld.idx.msk [tilespmem:v16+s3+$0x0], $0xffff  }
0x14a: {  	v17 =	vld.idx.msk [tilespmem:v17+s3+$0x0], $0xffff  }
0x14b: {  	v18 =	vld.idx.msk [tilespmem:v18+s3+$0x0], $0xffff  }
0x14c: {  	v11 =	vsub.f32 v5, v11;
	v19 =	vld [tilespmem:s25+$0x1C770];
	s25 =	sshra.s32 s28, $0x2  }
0x14d: {  	v13 =	vsub.f32 v7, v13;
	v7 =	vsub.f32 v4, v12;
	v5 =	vld [tilespmem:s25+$0x1C740]  }
0x14e: {  	v8 =	vsub.f32 v8, v14;
	v9 =	vsub.f32 v9, v15;
	v4 =	vld [tilespmem:s25+$0x1C750]  }
0x14f: {  	v14 =	vmul.f32 v11, v11;
	v15 =	vmul.f32 v7, v7;
	v10 =	vsub.f32 v10, v16;
	v12 =	vld [tilespmem:s25+$0x1C760]  }
0x150: {  	v11 =	vmul.f32 v13, v13;
	v13 =	vmul.f32 v8, v8;
	v6 =	vsub.f32 v6, v17;
	v7 =	vld [tilespmem:s25+$0x1C700]  }
0x151: {  	v16 =	vmul.f32 v9, v9;
	v17 =	vmul.f32 v10, v10;
	v8 =	vld [tilespmem:s25+$0x1C710];
	v18 =	vsub.f32 v19, v18  }
0x152: {  	v0 =	vadd.f32 v11, v0;
	v1 =	vadd.f32 v13, v1;
	v13 =	vmul.f32 v6, v6;
	v9 =	vld [tilespmem:s25+$0x1C720]  }
0x153: {  	s26 =	sadd.s32 $0x80, s26;
	v2 =	vadd.f32 v16, v2;
	v3 =	vadd.f32 v17, v3;
	v10 =	vld [tilespmem:s25+$0x1C730];
	v16 =	vmul.f32 v18, v18  }
0x154: {  	v0 =	vadd.f32 v14, v0;
	v1 =	vadd.f32 v15, v1;
	v11 =	vld [tilespmem:s26+$0x0];
	v6 =	vmov v12  }
.Ltmp10:
0x155: {  	v2 =	vadd.f32 v13, v2;
	v12 =	vld [tilespmem:s26+$0x10];
	v3 =	vadd.f32 v16, v3;
	(pc) =	sbr.rel @p0 .LBB2_22-.Ltmp10, $4  }
0x156: {  	v13 =	vld [tilespmem:s26+$0xFFFFFFC0]  }
0x157: {  	v14 =	vld [tilespmem:s26+$0xFFFFFFD0]  }
0x158: {  	v15 =	vld [tilespmem:s26+$0xFFFFFFE0]  }
0x159: {  	s28 =	sadd.s32 $0x400, s28;
	v16 =	vld [tilespmem:s26+$0xFFFFFFF0]  }
0x15a: {  	_ =	sdelay $0x1  }
0x15b: {  	v17 =	vld [tilespmem:s26+$0x20]  }
0x15c: {  	v18 =	vld [tilespmem:s26+$0x30]  }
0x15d: {  	v11 =	vld.idx.msk [tilespmem:v11+s3+$0x0], $0xffff  }
0x15e: {  	v12 =	vld.idx.msk [tilespmem:v12+s3+$0x0], $0xffff  }
0x15f: {  	v60 =	vld [tilespmem:s25+$0x1C770]  }
0x160: {  	v13 =	vld.idx.msk [tilespmem:v13+s3+$0x0], $0xffff  }
0x161: {  	v14 =	vld.idx.msk [tilespmem:v14+s3+$0x0], $0xffff  }
0x162: {  	v15 =	vld.idx.msk [tilespmem:v15+s3+$0x0], $0xffff  }
0x163: {  	v16 =	vld.idx.msk [tilespmem:v16+s3+$0x0], $0xffff  }
0x164: {  	v17 =	vld.idx.msk [tilespmem:v17+s3+$0x0], $0xffff  }
0x165: {  	v7 =	vsub.f32 v7, v13;
	v18 =	vld.idx.msk [tilespmem:v18+s3+$0x0], $0xffff  }
0x166: {  	v5 =	vsub.f32 v5, v11  }
0x167: {  	v8 =	vsub.f32 v8, v14;
	v9 =	vsub.f32 v9, v15;
	v7 =	vmul.f32 v7, v7  }
0x168: {  	v4 =	vsub.f32 v4, v12;
	v5 =	vmul.f32 v5, v5;
	v10 =	vsub.f32 v10, v16  }
0x169: {  	v8 =	vmul.f32 v8, v8;
	v9 =	vmul.f32 v9, v9;
	v0 =	vadd.f32 v7, v0  }
0x16a: {  	v10 =	vmul.f32 v10, v10;
	v6 =	vsub.f32 v6, v17;
	v11 =	vsub.f32 v60, v18  }
0x16b: {  	v4 =	vmul.f32 v4, v4;
	v1 =	vadd.f32 v8, v1;
	v61 =	vadd.f32 v9, v2  }
0x16c: {  	v62 =	vadd.f32 v10, v3;
	v6 =	vmul.f32 v6, v6;
	v63 =	vmul.f32 v11, v11  }
0x16d: {  	s25 =	simm.s32 $0x1C700;
	v2 =	vadd.f32 v5, v0;
	v3 =	vadd.f32 v4, v1  }
0x16e: {  	s26 =	simm.s32 $0x80;
	s29 =	sadd.s32 $0x0, s12;
	s28 =	simm.s32 $0x1C800;
	v0 =	vadd.f32 v6, v61;
	v1 =	vadd.f32 v63, v62  }
.LBB2_24:
0x16f: {  	[tilespmem:s25], [sflag:$0x2] =	stream.linear.gather [hbm4b:s29+s3], $0x80, $0x38;
	[tilespmem:$0x1E780] =	vst v63  }
0x170: {  	s29 =	smov.u32 s26;
	s25 =	smov.u32 s28;
	p0 =	sne.s32 s26, $0xF80  }
.Ltmp11:
0x171: {  	s26 =	sadd.s32 $0x80, s26;
	(pc) =	sbr.rel @p0 .LBB2_24-.Ltmp11, $2  }
0x172: {  	_ =	sdelay $0x2  }
0x173: {  	s28 =	sadd.s32 $0x100, s28;
	s29 =	sadd.s32 s29, s12  }
0x174: {  	[tilespmem:s25], [sflag:$0x2] =	stream.linear.gather [hbm4b:s29+s3], $0x80, $0x38;
	[tilespmem:$0x1E780] =	vst v63  }
0x175: {  	_ =	swait.ge [sflag:s21], $0x1000  }
0x176: {  	[sflag:s21] =	ssyncset.done $0x0  }
0x177: {  	s25 =	simm.s32 $0x1C7F0;
	[sflag:s21] =	ssyncadd.s32 $0xFFFFF000  }
0x178: {  	v5 =	vld [tilespmem:s25+$0xFFFFFFD0]  }
0x179: {  	v4 =	vld [tilespmem:s25+$0xFFFFFFE0]  }
0x17a: {  	v6 =	vld [tilespmem:s25+$0xFFFFFFF0]  }
0x17b: {  	v7 =	vld [tilespmem:s25+$0xFFFFFF90]  }
0x17c: {  	v8 =	vld [tilespmem:s25+$0xFFFFFFA0]  }
0x17d: {  	v9 =	vld [tilespmem:s25+$0xFFFFFFB0]  }
0x17e: {  	s28 =	simm.s32 $0x0;
	v10 =	vld [tilespmem:s25+$0xFFFFFFC0]  }
0x17f: {  	v11 =	vld [tilespmem:s28+$0x19740]  }
0x180: {  	v12 =	vld [tilespmem:s28+$0x19750]  }
0x181: {  	v13 =	vld [tilespmem:s28+$0x19700]  }
0x182: {  	v14 =	vld [tilespmem:s28+$0x19710]  }
0x183: {  	s26 =	simm.s32 $0x200;
	v15 =	vld [tilespmem:s28+$0x19720]  }
.LBB2_26:
0x184: {  	p0 =	sne.s32 s26, $0x3E00;
	v16 =	vld [tilespmem:s28+$0x19730]  }
0x185: {  	v17 =	vld [tilespmem:s28+$0x19760]  }
0x186: {  	v18 =	vld [tilespmem:s28+$0x19770]  }
0x187: {  	v11 =	vld.idx.msk [tilespmem:v11+s3+$0x0], $0xffff  }
0x188: {  	v12 =	vld.idx.msk [tilespmem:v12+s3+$0x0], $0xffff  }
0x189: {  	v13 =	vld.idx.msk [tilespmem:v13+s3+$0x0], $0xffff  }
0x18a: {  	v14 =	vld.idx.msk [tilespmem:v14+s3+$0x0], $0xffff  }
0x18b: {  	v15 =	vld.idx.msk [tilespmem:v15+s3+$0x0], $0xffff  }
0x18c: {  	v16 =	vld.idx.msk [tilespmem:v16+s3+$0x0], $0xffff  }
0x18d: {  	v17 =	vld.idx.msk [tilespmem:v17+s3+$0x0], $0xffff  }
0x18e: {  	v18 =	vld.idx.msk [tilespmem:v18+s3+$0x0], $0xffff  }
0x18f: {  	v11 =	vsub.f32 v5, v11;
	v19 =	vld [tilespmem:s25+$0x0];
	s25 =	sadd.s32 $0x100, s25  }
0x190: {  	v13 =	vsub.f32 v7, v13;
	v7 =	vsub.f32 v4, v12;
	v5 =	vld [tilespmem:s25+$0xFFFFFFD0]  }
0x191: {  	v8 =	vsub.f32 v8, v14;
	v9 =	vsub.f32 v9, v15;
	v4 =	vld [tilespmem:s25+$0xFFFFFFE0]  }
0x192: {  	v14 =	vmul.f32 v11, v11;
	v15 =	vmul.f32 v7, v7;
	v10 =	vsub.f32 v10, v16;
	v12 =	vld [tilespmem:s25+$0xFFFFFFF0]  }
0x193: {  	v11 =	vmul.f32 v13, v13;
	v13 =	vmul.f32 v8, v8;
	v6 =	vsub.f32 v6, v17;
	v7 =	vld [tilespmem:s25+$0xFFFFFF90]  }
0x194: {  	v16 =	vmul.f32 v9, v9;
	v17 =	vmul.f32 v10, v10;
	v8 =	vld [tilespmem:s25+$0xFFFFFFA0];
	v18 =	vsub.f32 v19, v18  }
0x195: {  	v2 =	vadd.f32 v11, v2;
	v3 =	vadd.f32 v13, v3;
	v13 =	vmul.f32 v6, v6;
	v9 =	vld [tilespmem:s25+$0xFFFFFFB0]  }
0x196: {  	s28 =	sshra.s32 s26, $0x2;
	v0 =	vadd.f32 v16, v0;
	v1 =	vadd.f32 v17, v1;
	v10 =	vld [tilespmem:s25+$0xFFFFFFC0];
	v16 =	vmul.f32 v18, v18  }
.Ltmp12:
0x197: {  	v2 =	vadd.f32 v14, v2;
	v3 =	vadd.f32 v15, v3;
	v11 =	vld [tilespmem:s28+$0x19740];
	v6 =	vmov v12;
	(pc) =	sbr.rel @p0 .LBB2_26-.Ltmp12, $4  }
0x198: {  	v0 =	vadd.f32 v13, v0;
	v12 =	vld [tilespmem:s28+$0x19750];
	v1 =	vadd.f32 v16, v1  }
0x199: {  	v13 =	vld [tilespmem:s28+$0x19700]  }
0x19a: {  	v14 =	vld [tilespmem:s28+$0x19710]  }
0x19b: {  	s26 =	sadd.s32 $0x200, s26;
	v15 =	vld [tilespmem:s28+$0x19720]  }
0x19c: {  	_ = 	snop  }
0x19d: {  	v16 =	vld [tilespmem:s28+$0x19730]  }
0x19e: {  	v17 =	vld [tilespmem:s28+$0x19760]  }
0x19f: {  	v18 =	vld [tilespmem:s28+$0x19770]  }
0x1a0: {  	v11 =	vld.idx.msk [tilespmem:v11+s3+$0x0], $0xffff  }
0x1a1: {  	v61 =	vld [tilespmem:s25+$0x0]  }
0x1a2: {  	v12 =	vld.idx.msk [tilespmem:v12+s3+$0x0], $0xffff  }
0x1a3: {  	v13 =	vld.idx.msk [tilespmem:v13+s3+$0x0], $0xffff  }
0x1a4: {  	v14 =	vld.idx.msk [tilespmem:v14+s3+$0x0], $0xffff  }
0x1a5: {  	v15 =	vld.idx.msk [tilespmem:v15+s3+$0x0], $0xffff  }
0x1a6: {  	v16 =	vld.idx.msk [tilespmem:v16+s3+$0x0], $0xffff  }
0x1a7: {  	v17 =	vld.idx.msk [tilespmem:v17+s3+$0x0], $0xffff  }
0x1a8: {  	v7 =	vsub.f32 v7, v13;
	v18 =	vld.idx.msk [tilespmem:v18+s3+$0x0], $0xffff  }
0x1a9: {  	v5 =	vsub.f32 v5, v11  }
0x1aa: {  	v8 =	vsub.f32 v8, v14;
	v9 =	vsub.f32 v9, v15;
	v7 =	vmul.f32 v7, v7  }
0x1ab: {  	v4 =	vsub.f32 v4, v12;
	v5 =	vmul.f32 v5, v5;
	v10 =	vsub.f32 v10, v16  }
0x1ac: {  	v8 =	vmul.f32 v8, v8;
	v9 =	vmul.f32 v9, v9;
	v2 =	vadd.f32 v7, v2  }
0x1ad: {  	v6 =	vsub.f32 v6, v17;
	v11 =	vsub.f32 v61, v18;
	v10 =	vmul.f32 v10, v10  }
0x1ae: {  	v4 =	vmul.f32 v4, v4;
	v62 =	vadd.f32 v8, v3;
	v0 =	vadd.f32 v9, v0  }
0x1af: {  	v6 =	vmul.f32 v6, v6;
	v63 =	vmul.f32 v11, v11;
	v1 =	vadd.f32 v10, v1  }
0x1b0: {  	s25 =	simm.s32 $0x1C780;
	v3 =	vadd.f32 v5, v2;
	v2 =	vadd.f32 v4, v62  }
0x1b1: {  	s26 =	simm.s32 $0x80;
	s29 =	sadd.s32 $0x0, s13;
	s28 =	simm.s32 $0x1C880;
	v0 =	vadd.f32 v6, v0;
	v1 =	vadd.f32 v63, v1  }
.LBB2_28:
0x1b2: {  	[tilespmem:s25], [sflag:$0x3] =	stream.linear.gather [hbm4b:s29+s3], $0x80, $0x38;
	[tilespmem:$0x1E780] =	vst v63  }
0x1b3: {  	s29 =	smov.u32 s26;
	s25 =	smov.u32 s28;
	p0 =	sne.s32 s26, $0xF80  }
.Ltmp13:
0x1b4: {  	s26 =	sadd.s32 $0x80, s26;
	(pc) =	sbr.rel @p0 .LBB2_28-.Ltmp13, $2  }
0x1b5: {  	_ =	sdelay $0x2  }
0x1b6: {  	s28 =	sadd.s32 $0x100, s28;
	s29 =	sadd.s32 s29, s13  }
0x1b7: {  	[tilespmem:s25], [sflag:$0x3] =	stream.linear.gather [hbm4b:s29+s3], $0x80, $0x38;
	[tilespmem:$0x1E780] =	vst v63  }
0x1b8: {  	_ =	swait.ge [sflag:s19], $0x1000  }
0x1b9: {  	[sflag:s19] =	ssyncset.done $0x0  }
0x1ba: {  	s25 =	simm.s32 $0x1C740;
	[sflag:s19] =	ssyncadd.s32 $0xFFFFF000  }
0x1bb: {  	v6 =	vld [tilespmem:s25+$0x0]  }
0x1bc: {  	v7 =	vld [tilespmem:s25+$0x10]  }
0x1bd: {  	v9 =	vld [tilespmem:s25+$0x20]  }
0x1be: {  	v10 =	vld [tilespmem:s25+$0xFFFFFFC0]  }
0x1bf: {  	v8 =	vld [tilespmem:s25+$0xFFFFFFD0]  }
0x1c0: {  	v11 =	vld [tilespmem:s25+$0xFFFFFFE0]  }
0x1c1: {  	s28 =	simm.s32 $0x0;
	v12 =	vld [tilespmem:s25+$0xFFFFFFF0]  }
0x1c2: {  	v4 =	vld [tilespmem:s28+$0x1A740]  }
0x1c3: {  	v5 =	vld [tilespmem:s28+$0x1A750]  }
0x1c4: {  	v13 =	vld [tilespmem:s28+$0x1A700]  }
0x1c5: {  	v14 =	vld [tilespmem:s28+$0x1A710]  }
0x1c6: {  	s26 =	simm.s32 $0x200;
	v15 =	vld [tilespmem:s28+$0x1A720]  }
.LBB2_30:
0x1c7: {  	p0 =	sne.s32 s26, $0x3E00;
	v16 =	vld [tilespmem:s28+$0x1A730]  }
0x1c8: {  	v17 =	vld [tilespmem:s28+$0x1A760]  }
0x1c9: {  	v18 =	vld [tilespmem:s28+$0x1A770]  }
0x1ca: {  	v4 =	vld.idx.msk [tilespmem:v4+s3+$0x0], $0xffff  }
0x1cb: {  	v5 =	vld.idx.msk [tilespmem:v5+s3+$0x0], $0xffff  }
0x1cc: {  	v13 =	vld.idx.msk [tilespmem:v13+s3+$0x0], $0xffff  }
0x1cd: {  	v14 =	vld.idx.msk [tilespmem:v14+s3+$0x0], $0xffff  }
0x1ce: {  	v15 =	vld.idx.msk [tilespmem:v15+s3+$0x0], $0xffff  }
0x1cf: {  	v16 =	vld.idx.msk [tilespmem:v16+s3+$0x0], $0xffff  }
0x1d0: {  	v17 =	vld.idx.msk [tilespmem:v17+s3+$0x0], $0xffff  }
0x1d1: {  	v18 =	vld.idx.msk [tilespmem:v18+s3+$0x0], $0xffff  }
0x1d2: {  	v4 =	vsub.f32 v6, v4;
	v19 =	vld [tilespmem:s25+$0x30];
	s25 =	sadd.s32 $0x100, s25  }
0x1d3: {  	v5 =	vsub.f32 v7, v5;
	v13 =	vsub.f32 v10, v13;
	v6 =	vld [tilespmem:s25+$0x0]  }
0x1d4: {  	v8 =	vsub.f32 v8, v14;
	v11 =	vsub.f32 v11, v15;
	v7 =	vld [tilespmem:s25+$0x10]  }
0x1d5: {  	v5 =	vmul.f32 v5, v5;
	v15 =	vmul.f32 v4, v4;
	v12 =	vsub.f32 v12, v16;
	v14 =	vld [tilespmem:s25+$0x20]  }
0x1d6: {  	v4 =	vmul.f32 v13, v13;
	v13 =	vmul.f32 v8, v8;
	v9 =	vsub.f32 v9, v17;
	v10 =	vld [tilespmem:s25+$0xFFFFFFC0]  }
0x1d7: {  	v16 =	vmul.f32 v11, v11;
	v17 =	vmul.f32 v12, v12;
	v8 =	vld [tilespmem:s25+$0xFFFFFFD0];
	v18 =	vsub.f32 v19, v18  }
0x1d8: {  	v3 =	vadd.f32 v4, v3;
	v2 =	vadd.f32 v13, v2;
	v13 =	vmul.f32 v9, v9;
	v11 =	vld [tilespmem:s25+$0xFFFFFFE0]  }
0x1d9: {  	s28 =	sshra.s32 s26, $0x2;
	v0 =	vadd.f32 v16, v0;
	v1 =	vadd.f32 v17, v1;
	v12 =	vld [tilespmem:s25+$0xFFFFFFF0];
	v16 =	vmul.f32 v18, v18  }
.Ltmp14:
0x1da: {  	v3 =	vadd.f32 v15, v3;
	v2 =	vadd.f32 v5, v2;
	v4 =	vld [tilespmem:s28+$0x1A740];
	v9 =	vmov v14;
	(pc) =	sbr.rel @p0 .LBB2_30-.Ltmp14, $4  }
0x1db: {  	v0 =	vadd.f32 v13, v0;
	v5 =	vld [tilespmem:s28+$0x1A750];
	v1 =	vadd.f32 v16, v1  }
0x1dc: {  	v13 =	vld [tilespmem:s28+$0x1A700]  }
0x1dd: {  	v14 =	vld [tilespmem:s28+$0x1A710]  }
0x1de: {  	s26 =	sadd.s32 $0x200, s26;
	v15 =	vld [tilespmem:s28+$0x1A720]  }
0x1df: {  	_ = 	snop  }
0x1e0: {  	v16 =	vld [tilespmem:s28+$0x1A730]  }
0x1e1: {  	v17 =	vld [tilespmem:s28+$0x1A760]  }
0x1e2: {  	v18 =	vld [tilespmem:s28+$0x1A770]  }
0x1e3: {  	v19 =	vld.idx.msk [tilespmem:v4+s3+$0x0], $0xffff  }
0x1e4: {  	v21 =	vld [tilespmem:s25+$0x30]  }
0x1e5: {  	v20 =	vld.idx.msk [tilespmem:v5+s3+$0x0], $0xffff  }
0x1e6: {  	v13 =	vld.idx.msk [tilespmem:v13+s3+$0x0], $0xffff  }
0x1e7: {  	v14 =	vld.idx.msk [tilespmem:v14+s3+$0x0], $0xffff  }
0x1e8: {  	v15 =	vld.idx.msk [tilespmem:v15+s3+$0x0], $0xffff  }
0x1e9: {  	v16 =	vld.idx.msk [tilespmem:v16+s3+$0x0], $0xffff  }
0x1ea: {  	v17 =	vld.idx.msk [tilespmem:v17+s3+$0x0], $0xffff  }
0x1eb: {  	v18 =	vld.idx.msk [tilespmem:v18+s3+$0x0], $0xffff;
	_ =	swait.ge [sflag:s21], $0x1000  }
0x1ec: {  	[sflag:s21] =	ssyncset.done $0x0  }
0x1ed: {  	s25 =	simm.s32 $0x1C7F0;
	[sflag:s21] =	ssyncadd.s32 $0xFFFFF000  }
0x1ee: {  	v5 =	vld [tilespmem:s25+$0xFFFFFFD0]  }
0x1ef: {  	v4 =	vld [tilespmem:s25+$0xFFFFFFE0]  }
0x1f0: {  	v19 =	vsub.f32 v6, v19;
	v10 =	vsub.f32 v10, v13;
	v6 =	vld [tilespmem:s25+$0xFFFFFFF0]  }
0x1f1: {  	v13 =	vsub.f32 v7, v20;
	v14 =	vsub.f32 v8, v14;
	v7 =	vld [tilespmem:s25+$0xFFFFFF90]  }
0x1f2: {  	v11 =	vsub.f32 v11, v15;
	v15 =	vmul.f32 v10, v10;
	v8 =	vld [tilespmem:s25+$0xFFFFFFA0]  }
0x1f3: {  	s28 =	simm.s32 $0x0;
	v14 =	vmul.f32 v14, v14;
	v10 =	vld [tilespmem:s25+$0xFFFFFFC0];
	v12 =	vsub.f32 v12, v16  }
0x1f4: {  	v61 =	vmul.f32 v11, v11;
	v3 =	vadd.f32 v15, v3;
	v11 =	vld [tilespmem:s28+$0x1B740];
	v15 =	vmul.f32 v13, v13  }
0x1f5: {  	v13 =	vld [tilespmem:s28+$0x1B700];
	v16 =	vsub.f32 v9, v17;
	v18 =	vsub.f32 v21, v18;
	v62 =	vmul.f32 v12, v12  }
0x1f6: {  	v14 =	vadd.f32 v14, v2;
	v17 =	vmul.f32 v19, v19;
	v0 =	vadd.f32 v61, v0;
	v12 =	vld [tilespmem:s28+$0x1B750]  }
0x1f7: {  	v9 =	vld [tilespmem:s25+$0xFFFFFFB0];
	v16 =	vmul.f32 v16, v16;
	v18 =	vmul.f32 v18, v18;
	v63 =	vadd.f32 v62, v1  }
0x1f8: {  	v2 =	vadd.f32 v17, v3;
	v3 =	vadd.f32 v15, v14;
	v14 =	vld [tilespmem:s28+$0x1B710]  }
0x1f9: {  	s26 =	simm.s32 $0x200;
	v15 =	vld [tilespmem:s28+$0x1B720];
	v1 =	vadd.f32 v16, v0;
	v0 =	vadd.f32 v18, v63  }
.LBB2_32:
0x1fa: {  	p0 =	sne.s32 s26, $0x3E00;
	v16 =	vld [tilespmem:s28+$0x1B730]  }
0x1fb: {  	v17 =	vld [tilespmem:s28+$0x1B760]  }
0x1fc: {  	v18 =	vld [tilespmem:s28+$0x1B770]  }
0x1fd: {  	v11 =	vld.idx.msk [tilespmem:v11+s3+$0x0], $0xffff  }
0x1fe: {  	v12 =	vld.idx.msk [tilespmem:v12+s3+$0x0], $0xffff  }
0x1ff: {  	v13 =	vld.idx.msk [tilespmem:v13+s3+$0x0], $0xffff  }
0x200: {  	v14 =	vld.idx.msk [tilespmem:v14+s3+$0x0], $0xffff  }
0x201: {  	v15 =	vld.idx.msk [tilespmem:v15+s3+$0x0], $0xffff  }
0x202: {  	v16 =	vld.idx.msk [tilespmem:v16+s3+$0x0], $0xffff  }
0x203: {  	v17 =	vld.idx.msk [tilespmem:v17+s3+$0x0], $0xffff  }
0x204: {  	v18 =	vld.idx.msk [tilespmem:v18+s3+$0x0], $0xffff  }
0x205: {  	v11 =	vsub.f32 v5, v11;
	v19 =	vld [tilespmem:s25+$0x0];
	s25 =	sadd.s32 $0x100, s25  }
0x206: {  	v13 =	vsub.f32 v7, v13;
	v7 =	vsub.f32 v4, v12;
	v5 =	vld [tilespmem:s25+$0xFFFFFFD0]  }
0x207: {  	v8 =	vsub.f32 v8, v14;
	v9 =	vsub.f32 v9, v15;
	v4 =	vld [tilespmem:s25+$0xFFFFFFE0]  }
0x208: {  	v14 =	vmul.f32 v11, v11;
	v15 =	vmul.f32 v7, v7;
	v10 =	vsub.f32 v10, v16;
	v12 =	vld [tilespmem:s25+$0xFFFFFFF0]  }
0x209: {  	v11 =	vmul.f32 v13, v13;
	v13 =	vmul.f32 v8, v8;
	v6 =	vsub.f32 v6, v17;
	v7 =	vld [tilespmem:s25+$0xFFFFFF90]  }
0x20a: {  	v16 =	vmul.f32 v9, v9;
	v17 =	vmul.f32 v10, v10;
	v8 =	vld [tilespmem:s25+$0xFFFFFFA0];
	v18 =	vsub.f32 v19, v18  }
0x20b: {  	v2 =	vadd.f32 v11, v2;
	v3 =	vadd.f32 v13, v3;
	v13 =	vmul.f32 v6, v6;
	v9 =	vld [tilespmem:s25+$0xFFFFFFB0]  }
0x20c: {  	s28 =	sshra.s32 s26, $0x2;
	v1 =	vadd.f32 v16, v1;
	v0 =	vadd.f32 v17, v0;
	v10 =	vld [tilespmem:s25+$0xFFFFFFC0];
	v16 =	vmul.f32 v18, v18  }
.Ltmp15:
0x20d: {  	v2 =	vadd.f32 v14, v2;
	v3 =	vadd.f32 v15, v3;
	v11 =	vld [tilespmem:s28+$0x1B740];
	v6 =	vmov v12;
	(pc) =	sbr.rel @p0 .LBB2_32-.Ltmp15, $4  }
0x20e: {  	v1 =	vadd.f32 v13, v1;
	v12 =	vld [tilespmem:s28+$0x1B750];
	v0 =	vadd.f32 v16, v0  }
0x20f: {  	v13 =	vld [tilespmem:s28+$0x1B700]  }
0x210: {  	v14 =	vld [tilespmem:s28+$0x1B710]  }
0x211: {  	s26 =	sadd.s32 $0x200, s26;
	v15 =	vld [tilespmem:s28+$0x1B720]  }
0x212: {  	_ = 	snop  }
0x213: {  	v16 =	vld [tilespmem:s28+$0x1B730]  }
0x214: {  	v17 =	vld [tilespmem:s28+$0x1B760]  }
0x215: {  	v18 =	vld [tilespmem:s28+$0x1B770]  }
0x216: {  	v11 =	vld.idx.msk [tilespmem:v11+s3+$0x0], $0xffff  }
0x217: {  	v60 =	vld [tilespmem:s25+$0x0]  }
0x218: {  	v13 =	vld.idx.msk [tilespmem:v13+s3+$0x0], $0xffff  }
0x219: {  	v14 =	vld.idx.msk [tilespmem:v14+s3+$0x0], $0xffff  }
0x21a: {  	v12 =	vld.idx.msk [tilespmem:v12+s3+$0x0], $0xffff  }
0x21b: {  	v15 =	vld.idx.msk [tilespmem:v15+s3+$0x0], $0xffff  }
0x21c: {  	v16 =	vld.idx.msk [tilespmem:v16+s3+$0x0], $0xffff  }
0x21d: {  	v7 =	vsub.f32 v7, v13;
	v17 =	vld.idx.msk [tilespmem:v17+s3+$0x0], $0xffff  }
0x21e: {  	v18 =	vld.idx.msk [tilespmem:v18+s3+$0x0], $0xffff;
	v8 =	vsub.f32 v8, v14  }
0x21f: {  	v5 =	vsub.f32 v5, v11;
	v7 =	vmul.f32 v7, v7  }
0x220: {  	v4 =	vsub.f32 v4, v12;
	v8 =	vmul.f32 v8, v8  }
0x221: {  	v5 =	vmul.f32 v5, v5;
	v9 =	vsub.f32 v9, v15;
	v2 =	vadd.f32 v7, v2  }
0x222: {  	v4 =	vmul.f32 v4, v4;
	v3 =	vadd.f32 v8, v3;
	v10 =	vsub.f32 v10, v16  }
0x223: {  	v9 =	vmul.f32 v9, v9;
	v6 =	vsub.f32 v6, v17;
	v62 =	vsub.f32 v60, v18  }
0x224: {  	v2 =	vadd.f32 v5, v2;
	v3 =	vadd.f32 v4, v3  }
0x225: {  	v1 =	vadd.f32 v9, v1;
	v61 =	vmul.f32 v10, v10;
	v6 =	vmul.f32 v6, v6  }
0x226: {  	v2 =	vadd.f32 v3, v2  }
0x227: {  	v63 =	vmul.f32 v62, v62;
	v0 =	vadd.f32 v61, v0;
	v1 =	vadd.f32 v6, v1;
	_ =	sdelay $0x1  }
0x228: {  	v0 =	vadd.f32 v63, v0;
	v1 =	vadd.f32 v1, v2;
	_ =	sdelay $0x1  }
0x229: {  	s24 =	sadd.s32 $0x1, s24;
	v0 =	vadd.f32 v0, v1  }
0x22a: {  	p0 =	sne.s32 s24, s15  }
.Ltmp16:
0x22b: {  	[tilespmem:$0x1E700] =	vst v0;
	(pc) =	sbr.rel @p0 .LBB2_1-.Ltmp16, $4  }
0x22c: {  	[hbm4b:s14+s3] =	stream.linear.scatter [tilespmem:s22], [sflag:$0x4], $0x80, $0x38;
	[tilespmem:$0x1E780] =	vst v63  }
0x22d: {  	_ =	swait.ge [sflag:s23], $0x80  }
0x22e: {  	[sflag:s23] =	ssyncset.done $0x0  }
0x22f: {  	[sflag:s23] =	ssyncadd.s32 $0xFFFFFF80  }
0x230: {  	_ =	sfence.sel $0x180000  }
0x231: {  	[bflag:$0x0] =	sbarrier.arrive $0xFFFF  }
0x232: {  	p0 =	sne.s32 s1, $0x0;
	_ =	strace $0x90000047  }
0x233: {  	s0 =	sadd.s32 @!p0 $0x100000, s0;
	[bflag:$0x2] =	sbarrier.arrive $0xFFFF  }
0x234: {  	[sflag:s0] =	ssyncadd.tile.s32 @!p0 $0x1;
	_ =	shalt  }
.Lfunc_end2:
_tile_overlayer_lowered:
.L_overlay_start_2:
0x235: {  	(tag) =	ssettag $0x2  }
0x236: {  	s0 =	rddreg [dreg:$0x0];
	s2 =	stileid.u32  }
0x237: {  	s1 =	rddreg [dreg:$0x1];
	p0 =	sne.s32 s2, $0x0  }
0x238: {  	s3 =	rddreg [dreg:$0x2];
	[bflag:$0x3] =	sbarrier.arrive $0xFFFF;
	s2 =	simm.s32 @!p0 $0x1C04  }
0x239: {  	[timem:s3], [sflag:s2] =	dma.local @!p0 [hbm:s0], s1  }
0x23a: {  	s0 =	simm.s32 @!p0 $0x4  }
0x23b: {  	_ =	swait.ge @!p0 [sflag:s0], s1  }
0x23c: {  	s1 =	ssub.s32 @!p0 $0x0, s1;
	[sflag:s0] =	ssyncset.done @!p0 $0x0  }
0x23d: {  	[sflag:s0] =	ssyncadd.s32 @!p0 s1  }
0x23e: {  	[bflag:$0x3] =	sbarrier.arrive $0xFFFF  }
0x23f: {  	_ =	shalt  }

</sc_bundles>
